<compile_context>
chip_gen: v7x
topology: tpu7x:2x2x1
jax: 0.10.2.dev20260603
libtpu: 0.0.44.dev20260713+nightly
codegen_flags: <defaults>
</compile_context>

<pallas_src>
import functools

import jax
import jax.numpy as jnp
from jax import lax
from jax.experimental import pallas as pl
from jax.experimental.pallas import tpu as pltpu
from jax.experimental.pallas import tpu_sc as plsc

N = 10000
E = 320000
D = 128
NC = 2
NS = 16
NW = NC * NS
CHUNK = 128
K = 80
KH = K // 2
EW = K * CHUNK
EP = NW * EW
PAD_ROWS = 112
NACC = N + PAD_ROWS
RPT = NACC // NS
NB = 8
HW = NACC * NB
HR = HW // 128




@functools.cache
def _sc_kernels():
    mesh = plsc.VectorSubcoreMesh(core_axis_name="c", subcore_axis_name="s",
                                  num_cores=NC, num_subcores=NS)

    @functools.partial(
        pl.kernel,
        out_type=jax.ShapeDtypeStruct((NW, HR, 128), jnp.float32),
        mesh=mesh,
        compiler_params=pltpu.CompilerParams(needs_layout_passes=False),
        scratch_types=[
            pltpu.VMEM((EW,), jnp.int32),
            pltpu.VMEM((HR, 128), jnp.float32),
        ],
    )
    def hist_kernel(col_hbm, zeros_hbm, hist_out, col_v, hist_v):
        cid = lax.axis_index("c")
        sid = lax.axis_index("s")
        wid = sid * NC + cid
        pltpu.sync_copy(col_hbm.at[wid], col_v)
        pltpu.sync_copy(zeros_hbm, hist_v)
        bank = lax.iota(jnp.int32, 16) & 7
        ones = jnp.ones((16,), jnp.float32)

        def body(i, carry):
            idx = col_v[pl.ds(i * 16, 16)]
            addr = idx * NB + bank
            plsc.addupdate_scatter(hist_v, [addr >> 7, addr & 127], ones)
            return carry

        lax.fori_loop(0, EW // 16, body, 0)
        pltpu.sync_copy(hist_v, hist_out.at[wid])

    @functools.partial(
        pl.kernel,
        out_type=jax.ShapeDtypeStruct((NC, NACC, D), jnp.float32),
        mesh=mesh,
        scratch_types=[
            pltpu.VMEM((KH, CHUNK), jnp.int32),
            pltpu.VMEM((KH, CHUNK), jnp.int32),
            pltpu.VMEM((CHUNK, D), jnp.float32),
            pltpu.VMEM((CHUNK, D), jnp.float32),
            pltpu.VMEM_SHARED((NACC, D), jnp.float32),
            pltpu.SemaphoreType.DMA,
            pltpu.SemaphoreType.DMA,
        ],
    )
    def msg_kernel(g_hbm, row_hbm, col_hbm, zeros_hbm, out_hbm,
                   row_v, col_v, buf0, buf1, acc, sem0, sem1):
        cid = lax.axis_index("c")
        sid = lax.axis_index("s")
        wid = sid * NC + cid
        pltpu.sync_copy(zeros_hbm, acc.at[pl.ds(sid * RPT, RPT)])
        plsc.subcore_barrier()

        bufs = (buf0, buf1)
        sems = (sem0, sem1)

        def body(j, carry):
            for b in range(2):
                k = j * 2 + b
                nk = lax.rem(k + 1, KH)
                pltpu.async_copy(g_hbm.at[row_v.at[nk]],
                                 bufs[1 - b], sems[1 - b])
                pltpu.make_async_copy(g_hbm.at[row_v.at[k]],
                                      bufs[b], sems[b]).wait()
                pltpu.sync_copy(bufs[b], acc.at[col_v.at[k]], add=True)
            return carry

        for h in range(2):
            pltpu.sync_copy(row_hbm.at[wid, pl.ds(h * KH, KH)], row_v)
            pltpu.sync_copy(col_hbm.at[wid, pl.ds(h * KH, KH)], col_v)
            pltpu.async_copy(g_hbm.at[row_v.at[0]], buf0, sem0)
            lax.fori_loop(0, KH // 2, body, 0)
            pltpu.make_async_copy(g_hbm.at[row_v.at[0]], buf0, sem0).wait()

        plsc.subcore_barrier()
        pltpu.sync_copy(acc.at[pl.ds(sid * RPT, RPT)],
                        out_hbm.at[cid, pl.ds(sid * RPT, RPT)])

    return hist_kernel, msg_kernel



def _merge_body(h_ref, gmat_ref, dis_ref):
    s = jnp.sum(h_ref[...], axis=0)
    degb = lax.dot_general(s, gmat_ref[...], (((1,), (0,)), ((), ())),
                           preferred_element_type=jnp.float32)
    dis_ref[...] = lax.rsqrt(degb + 1.0)


def _k1_body(dis_ref, x_ref, w1_ref, b1_ref, g_ref):
    dis = dis_ref[:N, :]
    h = lax.dot_general(x_ref[...], w1_ref[...], (((1,), (1,)), ((), ())),
                        preferred_element_type=jnp.float32)
    g_ref[...] = dis * (h + b1_ref[...])


def _k2_body(s_ref, g1_ref, dis_ref, gamma_ref, beta_ref, w2_ref, b2_ref,
             g2_ref):
    dis = dis_ref[:N, :]
    out1 = dis * (s_ref[0, :N, :] + s_ref[1, :N, :] + g1_ref[...])
    mu = jnp.mean(out1, axis=0, keepdims=True)
    var = jnp.mean(out1 * out1, axis=0, keepdims=True) - mu * mu
    y = gamma_ref[...] * (out1 - mu) * lax.rsqrt(var + 1e-5) + beta_ref[...]
    y = jnp.where(y >= 0, y, 0.1 * y)
    h2 = lax.dot_general(y, w2_ref[...], (((1,), (1,)), ((), ())),
                         preferred_element_type=jnp.float32)
    g2_ref[...] = dis * (h2 + b2_ref[...])


def _k3_body(s_ref, g2_ref, dis_ref, gamma_ref, beta_ref, y_ref):
    dis = dis_ref[:N, :]
    out2 = dis * (s_ref[0, :N, :] + s_ref[1, :N, :] + g2_ref[...])
    mu = jnp.mean(out2, axis=0, keepdims=True)
    var = jnp.mean(out2 * out2, axis=0, keepdims=True) - mu * mu
    y = gamma_ref[...] * (out2 - mu) * lax.rsqrt(var + 1e-5) + beta_ref[...]
    y_ref[...] = jnp.where(y >= 0, y, 0.1 * y)


_merge = pl.pallas_call(
    _merge_body,
    out_shape=jax.ShapeDtypeStruct((HR, 16), jnp.float32),
)
_k1 = pl.pallas_call(
    _k1_body,
    out_shape=jax.ShapeDtypeStruct((N, D), jnp.float32),
)
_k2 = pl.pallas_call(
    _k2_body,
    out_shape=jax.ShapeDtypeStruct((N, D), jnp.float32),
)
_k3 = pl.pallas_call(
    _k3_body,
    out_shape=jax.ShapeDtypeStruct((N, D), jnp.float32),
)


def kernel(x, edge_index, W1, b1, gamma1, beta1, W2, b2, gamma2, beta2):
    row = edge_index[0]
    col = edge_index[1]
    pad = EP - E
    pad_gather = (jnp.arange(pad, dtype=jnp.int32) * 37) % N
    pad_scatter = N + (jnp.arange(pad, dtype=jnp.int32) % PAD_ROWS)
    row_p = jnp.concatenate([row, pad_gather]).reshape(NW, K, CHUNK)
    col_p = jnp.concatenate([col, pad_scatter]).reshape(NW, K, CHUNK)
    zeros_blk = jnp.zeros((RPT, D), jnp.float32)
    zeros_hist = jnp.zeros((HR, 128), jnp.float32)
    gmat = jnp.repeat(jnp.eye(16, dtype=jnp.float32), NB, axis=0)

    _hist_kernel, _msg_kernel = _sc_kernels()
    hists = _hist_kernel(col_p.reshape(NW, EW), zeros_hist)
    dis_blk = _merge(hists, gmat)
    dis_col = dis_blk.reshape(NACC, 1)
    g1 = _k1(dis_col, x, W1, b1.reshape(1, D))
    s1 = _msg_kernel(g1, row_p, col_p, zeros_blk)
    g2 = _k2(s1, g1, dis_col, gamma1.reshape(1, D), beta1.reshape(1, D),
             W2, b2.reshape(1, D))
    s2 = _msg_kernel(g2, row_p, col_p, zeros_blk)
    y = _k3(s2, g2, dis_col, gamma2.reshape(1, D), beta2.reshape(1, D))
    return y

# --- scband reference (transcript-rebuilt; emitter-appended) ---
"""Pipeline reference for scband-tsgnndecoder-32822140076800 (READ-ONLY COPY).

The authoritative reference and input builder live on the scoring server;
editing this copy changes nothing except your own understanding.
"""

import jax, jax.numpy as jnp
import numpy as np

N = 10000
E = 320000
IN_DIM = 128
HID = 128
EMB = 128


def setup_inputs(seed: int = 0) -> dict:
    key = jax.random.key(seed)
    ks = jax.random.split(key, 10)
    x = jax.random.normal(ks[0], (N, IN_DIM), dtype=jnp.float32)
    edge_index = jax.random.randint(ks[1], (2, E), 0, N, dtype=jnp.int32)
    W1 = jax.random.normal(ks[2], (HID, IN_DIM), dtype=jnp.float32) * (1.0 / np.sqrt(IN_DIM))
    b1 = jnp.zeros((HID,), dtype=jnp.float32)
    gamma1 = jnp.ones((HID,), dtype=jnp.float32)
    beta1 = jnp.zeros((HID,), dtype=jnp.float32)
    W2 = jax.random.normal(ks[3], (EMB, HID), dtype=jnp.float32) * (1.0 / np.sqrt(HID))
    b2 = jnp.zeros((EMB,), dtype=jnp.float32)
    gamma2 = jnp.ones((EMB,), dtype=jnp.float32)
    beta2 = jnp.zeros((EMB,), dtype=jnp.float32)
    return {"x": x, "edge_index": edge_index, "W1": W1, "b1": b1, "gamma1": gamma1, "beta1": beta1, "W2": W2, "b2": b2, "gamma2": gamma2, "beta2": beta2}


def _gcn_conv(x, edge_index, W, b):
    n = x.shape[0]
    loops = jnp.arange(n, dtype=edge_index.dtype)
    ei = jnp.concatenate([edge_index, jnp.stack([loops, loops], axis=0)], axis=1)
    h = x @ W.T + b
    row, col = ei[0], ei[1]
    deg = jnp.zeros((n,), h.dtype).at[col].add(jnp.ones_like(col, dtype=h.dtype))
    deg_inv_sqrt = deg ** (-0.5)
    norm = deg_inv_sqrt[row] * deg_inv_sqrt[col]
    msg = norm[:, None] * h[row]
    out = jnp.zeros((n, h.shape[1]), h.dtype).at[col].add(msg)
    return out


def _batch_norm(x, gamma, beta, eps=1e-5):
    mu = jnp.mean(x, axis=0)
    var = jnp.var(x, axis=0)
    return gamma * (x - mu) / jnp.sqrt(var + eps) + beta


def _leaky_relu(x, slope=0.1):
    return jnp.where(x >= 0, x, slope * x)


def reference(x, edge_index, W1, b1, gamma1, beta1, W2, b2, gamma2, beta2):
    h = _gcn_conv(x, edge_index, W1, b1)
    h = _batch_norm(h, gamma1, beta1)
    h = _leaky_relu(h)
    h = _gcn_conv(h, edge_index, W2, b2)
    h = _batch_norm(h, gamma2, beta2)
    h = _leaky_relu(h)
    return h

if __name__ == "__main__":
    import jax
    _d = setup_inputs()
    print(jax.jit(kernel)(*tuple(_d.values())))

</pallas_src>

<mosaic_0001>
#map = affine_map<(d0, d1) -> (0, 0)>
#map1 = affine_map<(d0, d1) -> (0, 0, 0)>
module attributes {stable_mosaic.version = 14 : i64} {
  func.func @hist_kernel(%arg0: i32, %arg1: i32, %arg2: memref<32x10240xi32, #tpu.memory_space<hbm>>, %arg3: memref<632x128xf32, #tpu.memory_space<hbm>>, %arg4: memref<32x632x128xf32, #tpu.memory_space<hbm>>, %arg5: memref<10240xi32, #tpu.memory_space<vmem>>, %arg6: memref<632x128xf32, #tpu.memory_space<vmem>>) attributes {dimension_semantics = [#tpu.dimension_semantics<core_parallel>, #tpu.dimension_semantics<subcore_parallel>], iteration_bounds = array<i64: 2, 16>, scalar_prefetch = 0 : i64, scratch_operands = 2 : i64, tpu.core_type = #tpu.core_type<sc_vector_subcore>, window_params = [{transform_indices = #map}, {transform_indices = #map}, {transform_indices = #map1}]} {
    %mul3A = arith.constant 2 : i32
    %mul3A_0 = arith.muli %arg1, %mul3A : i32
    %add3A = arith.addi %mul3A_0, %arg0 : i32
    "tpu.region"() ({
      %run_scoped3A = tpu.sem_alloc : memref<!tpu.dma_semaphore, #tpu.memory_space<semaphore_mem>>
      %dma_start3A = arith.constant 0 : i32
      %dma_start3A_9 = tpu.memref_slice %arg2[%add3A, %dma_start3A] : memref<32x10240xi32, #tpu.memory_space<hbm>> -> memref<1x10240xi32, #tpu.memory_space<hbm>>
      %dma_start3A_10 = tpu.memref_squeeze %dma_start3A_9 : memref<1x10240xi32, #tpu.memory_space<hbm>> -> memref<10240xi32, #tpu.memory_space<hbm>>
      %dma_start3A_11 = arith.constant 0 : i32
      %dma_start3A_12 = tpu.memref_slice %arg2[%add3A, %dma_start3A_11] : memref<32x10240xi32, #tpu.memory_space<hbm>> -> memref<1x10240xi32, #tpu.memory_space<hbm>>
      %dma_start3A_13 = tpu.memref_squeeze %dma_start3A_12 : memref<1x10240xi32, #tpu.memory_space<hbm>> -> memref<10240xi32, #tpu.memory_space<hbm>>
      tpu.enqueue_dma source(%dma_start3A_13 : memref<10240xi32, #tpu.memory_space<hbm>>) target(%arg5 : memref<10240xi32, #tpu.memory_space<vmem>>) target_semaphore(%run_scoped3A : memref<!tpu.dma_semaphore, #tpu.memory_space<semaphore_mem>>)
      %dma_wait3A = arith.constant 0 : i32
      %dma_wait3A_14 = tpu.memref_slice %arg2[%add3A, %dma_wait3A] : memref<32x10240xi32, #tpu.memory_space<hbm>> -> memref<1x10240xi32, #tpu.memory_space<hbm>>
      %dma_wait3A_15 = tpu.memref_squeeze %dma_wait3A_14 : memref<1x10240xi32, #tpu.memory_space<hbm>> -> memref<10240xi32, #tpu.memory_space<hbm>>
      %dma_wait3A_16 = arith.constant 0 : i32
      %dma_wait3A_17 = tpu.memref_slice %arg2[%add3A, %dma_wait3A_16] : memref<32x10240xi32, #tpu.memory_space<hbm>> -> memref<1x10240xi32, #tpu.memory_space<hbm>>
      %dma_wait3A_18 = tpu.memref_squeeze %dma_wait3A_17 : memref<1x10240xi32, #tpu.memory_space<hbm>> -> memref<10240xi32, #tpu.memory_space<hbm>>
      tpu.wait_dma2 semaphore(%run_scoped3A : memref<!tpu.dma_semaphore, #tpu.memory_space<semaphore_mem>>) src(%dma_wait3A_18 : memref<10240xi32, #tpu.memory_space<hbm>>) dst(%arg5 : memref<10240xi32, #tpu.memory_space<vmem>>)
      tpu.yield
    }) : () -> ()
    "tpu.region"() ({
      %run_scoped3A = tpu.sem_alloc : memref<!tpu.dma_semaphore, #tpu.memory_space<semaphore_mem>>
      tpu.enqueue_dma source(%arg3 : memref<632x128xf32, #tpu.memory_space<hbm>>) target(%arg6 : memref<632x128xf32, #tpu.memory_space<vmem>>) target_semaphore(%run_scoped3A : memref<!tpu.dma_semaphore, #tpu.memory_space<semaphore_mem>>)
      tpu.wait_dma2 semaphore(%run_scoped3A : memref<!tpu.dma_semaphore, #tpu.memory_space<semaphore_mem>>) src(%arg3 : memref<632x128xf32, #tpu.memory_space<hbm>>) dst(%arg6 : memref<632x128xf32, #tpu.memory_space<vmem>>)
      tpu.yield
    }) : () -> ()
    %iota3A = tpu.iota {dimensions = array<i32: 0>} : vector<16xi32>
    %and3A = arith.constant 7 : i32
    %and3A_1 = vector.broadcast %and3A : i32 to vector<16xi32>
    %and3A_2 = arith.andi %iota3A, %and3A_1 : vector<16xi32>
    %broadcast_in_dim3A = arith.constant 1.000000e+00 : f32
    %broadcast_in_dim3A_3 = vector.broadcast %broadcast_in_dim3A : f32 to vector<16xf32>
    %scan3A = arith.constant 0 : i32
    %scan3A_4 = arith.constant 0 : i32
    %scan3A_5 = arith.constant 640 : i32
    %scan3A_6 = arith.addi %scan3A_4, %scan3A_5 : i32
    %scan3A_7 = arith.constant 1 : i32
    scf.for %scan3A_9 = %scan3A_4 to %scan3A_6 step %scan3A_7  : i32 {
      %mul3A_10 = arith.constant 16 : i32
      %mul3A_11 = arith.muli %scan3A_9, %mul3A_10 : i32
      %get3A = arith.index_cast %mul3A_11 : i32 to index
      %get3A_12 = tpu.vector_load %arg5[%get3A] {strides = array<i32>} : memref<10240xi32, #tpu.memory_space<vmem>>, vector<16xi32>,
      %mul3A_13 = arith.constant 8 : i32
      %mul3A_14 = vector.broadcast %mul3A_13 : i32 to vector<16xi32>
      %mul3A_15 = arith.muli %get3A_12, %mul3A_14 : vector<16xi32>
      %add3A_16 = arith.addi %mul3A_15, %and3A_2 : vector<16xi32>
      %shift_right_arithmetic3A = arith.constant 7 : i32
      %shift_right_arithmetic3A_17 = vector.broadcast %shift_right_arithmetic3A : i32 to vector<16xi32>
      %shift_right_arithmetic3A_18 = arith.shrsi %add3A_16, %shift_right_arithmetic3A_17 : vector<16xi32>
      %and3A_19 = arith.constant 127 : i32
      %and3A_20 = vector.broadcast %and3A_19 : i32 to vector<16xi32>
      %and3A_21 = arith.andi %add3A_16, %and3A_20 : vector<16xi32>
      tpu.vector_store_idx %arg6[%shift_right_arithmetic3A_18, %and3A_21], %broadcast_in_dim3A_3 {add = true} : memref<632x128xf32, #tpu.memory_space<vmem>>[vector<16xi32>, vector<16xi32>], vector<16xf32>,
    }
    %scan3A_8 = arith.constant 640 : i32
    "tpu.region"() ({
      %run_scoped3A = tpu.sem_alloc : memref<!tpu.dma_semaphore, #tpu.memory_space<semaphore_mem>>
      %dma_start3A = arith.constant 0 : i32
      %dma_start3A_9 = arith.constant 0 : i32
      %dma_start3A_10 = tpu.memref_slice %arg4[%add3A, %dma_start3A, %dma_start3A_9] : memref<32x632x128xf32, #tpu.memory_space<hbm>> -> memref<1x632x128xf32, #tpu.memory_space<hbm>>
      %dma_start3A_11 = tpu.memref_squeeze %dma_start3A_10 : memref<1x632x128xf32, #tpu.memory_space<hbm>> -> memref<632x128xf32, #tpu.memory_space<hbm>>
      %dma_start3A_12 = arith.constant 0 : i32
      %dma_start3A_13 = arith.constant 0 : i32
      %dma_start3A_14 = tpu.memref_slice %arg4[%add3A, %dma_start3A_12, %dma_start3A_13] : memref<32x632x128xf32, #tpu.memory_space<hbm>> -> memref<1x632x128xf32, #tpu.memory_space<hbm>>
      %dma_start3A_15 = tpu.memref_squeeze %dma_start3A_14 : memref<1x632x128xf32, #tpu.memory_space<hbm>> -> memref<632x128xf32, #tpu.memory_space<hbm>>
      tpu.enqueue_dma source(%arg6 : memref<632x128xf32, #tpu.memory_space<vmem>>) target(%dma_start3A_15 : memref<632x128xf32, #tpu.memory_space<hbm>>) target_semaphore(%run_scoped3A : memref<!tpu.dma_semaphore, #tpu.memory_space<semaphore_mem>>)
      %dma_wait3A = arith.constant 0 : i32
      %dma_wait3A_16 = arith.constant 0 : i32
      %dma_wait3A_17 = tpu.memref_slice %arg4[%add3A, %dma_wait3A, %dma_wait3A_16] : memref<32x632x128xf32, #tpu.memory_space<hbm>> -> memref<1x632x128xf32, #tpu.memory_space<hbm>>
      %dma_wait3A_18 = tpu.memref_squeeze %dma_wait3A_17 : memref<1x632x128xf32, #tpu.memory_space<hbm>> -> memref<632x128xf32, #tpu.memory_space<hbm>>
      %dma_wait3A_19 = arith.constant 0 : i32
      %dma_wait3A_20 = arith.constant 0 : i32
      %dma_wait3A_21 = tpu.memref_slice %arg4[%add3A, %dma_wait3A_19, %dma_wait3A_20] : memref<32x632x128xf32, #tpu.memory_space<hbm>> -> memref<1x632x128xf32, #tpu.memory_space<hbm>>
      %dma_wait3A_22 = tpu.memref_squeeze %dma_wait3A_21 : memref<1x632x128xf32, #tpu.memory_space<hbm>> -> memref<632x128xf32, #tpu.memory_space<hbm>>
      tpu.wait_dma2 semaphore(%run_scoped3A : memref<!tpu.dma_semaphore, #tpu.memory_space<semaphore_mem>>) src(%arg6 : memref<632x128xf32, #tpu.memory_space<vmem>>) dst(%dma_wait3A_22 : memref<632x128xf32, #tpu.memory_space<hbm>>)
      tpu.yield
    }) : () -> ()
    return
  }
}

#map = affine_map<(d0, d1) -> (0, 0)>
#map1 = affine_map<(d0, d1) -> (0, 0, 0)>
module attributes {stable_mosaic.version = 14 : i64} {
  func.func @msg_kernel(%arg0: i32, %arg1: i32, %arg2: memref<10000x128xf32, #tpu.memory_space<hbm>>, %arg3: memref<32x80x128xi32, #tpu.memory_space<hbm>>, %arg4: memref<32x80x128xi32, #tpu.memory_space<hbm>>, %arg5: memref<632x128xf32, #tpu.memory_space<hbm>>, %arg6: memref<2x10112x128xf32, #tpu.memory_space<hbm>>, %arg7: memref<40x128xi32, #tpu.memory_space<vmem>>, %arg8: memref<40x128xi32, #tpu.memory_space<vmem>>, %arg9: memref<128x128xf32, #tpu.memory_space<vmem>>, %arg10: memref<128x128xf32, #tpu.memory_space<vmem>>, %arg11: memref<10112x128xf32, #tpu.memory_space<vmem_shared>>, %arg12: memref<!tpu.dma_semaphore, #tpu.memory_space<semaphore_mem>>, %arg13: memref<!tpu.dma_semaphore, #tpu.memory_space<semaphore_mem>>) attributes {dimension_semantics = [#tpu.dimension_semantics<core_parallel>, #tpu.dimension_semantics<subcore_parallel>], iteration_bounds = array<i64: 2, 16>, scalar_prefetch = 0 : i64, scratch_operands = 7 : i64, tpu.core_type = #tpu.core_type<sc_vector_subcore>, window_params = [{transform_indices = #map}, {transform_indices = #map1}, {transform_indices = #map1}, {transform_indices = #map}, {transform_indices = #map1}]} {
    %mul3A = arith.constant 2 : i32
    %mul3A_0 = arith.muli %arg1, %mul3A : i32
    %add3A = arith.addi %mul3A_0, %arg0 : i32
    %mul3A_1 = arith.constant 632 : i32
    %mul3A_2 = arith.muli %arg1, %mul3A_1 : i32
    "tpu.region"() ({
      %run_scoped3A = tpu.sem_alloc : memref<!tpu.dma_semaphore, #tpu.memory_space<semaphore_mem>>
      %dma_start3A_45 = arith.constant 0 : i32
      %dma_start3A_46 = tpu.memref_slice %arg11[%mul3A_2, %dma_start3A_45] : memref<10112x128xf32, #tpu.memory_space<vmem_shared>> -> memref<632x128xf32, #tpu.memory_space<vmem_shared>>
      tpu.enqueue_dma source(%arg5 : memref<632x128xf32, #tpu.memory_space<hbm>>) target(%dma_start3A_46 : memref<632x128xf32, #tpu.memory_space<vmem_shared>>) target_semaphore(%run_scoped3A : memref<!tpu.dma_semaphore, #tpu.memory_space<semaphore_mem>>)
      %dma_wait3A_47 = arith.constant 0 : i32
      %dma_wait3A_48 = tpu.memref_slice %arg11[%mul3A_2, %dma_wait3A_47] : memref<10112x128xf32, #tpu.memory_space<vmem_shared>> -> memref<632x128xf32, #tpu.memory_space<vmem_shared>>
      tpu.wait_dma2 semaphore(%run_scoped3A : memref<!tpu.dma_semaphore, #tpu.memory_space<semaphore_mem>>) src(%arg5 : memref<632x128xf32, #tpu.memory_space<hbm>>) dst(%dma_wait3A_48 : memref<632x128xf32, #tpu.memory_space<vmem_shared>>)
      tpu.yield
    }) : () -> ()
    %barrier3A = arith.constant 0 : index
    tpu.barrier barrier_id(%barrier3A)
    "tpu.region"() ({
      %run_scoped3A = tpu.sem_alloc : memref<!tpu.dma_semaphore, #tpu.memory_space<semaphore_mem>>
      %dma_start3A_45 = arith.constant 0 : i32
      %dma_start3A_46 = arith.constant 0 : i32
      %dma_start3A_47 = tpu.memref_slice %arg3[%add3A, %dma_start3A_45, %dma_start3A_46] : memref<32x80x128xi32, #tpu.memory_space<hbm>> -> memref<1x40x128xi32, #tpu.memory_space<hbm>>
      %dma_start3A_48 = tpu.memref_squeeze %dma_start3A_47 : memref<1x40x128xi32, #tpu.memory_space<hbm>> -> memref<40x128xi32, #tpu.memory_space<hbm>>
      %dma_start3A_49 = arith.constant 0 : i32
      %dma_start3A_50 = arith.constant 0 : i32
      %dma_start3A_51 = tpu.memref_slice %arg3[%add3A, %dma_start3A_49, %dma_start3A_50] : memref<32x80x128xi32, #tpu.memory_space<hbm>> -> memref<1x40x128xi32, #tpu.memory_space<hbm>>
      %dma_start3A_52 = tpu.memref_squeeze %dma_start3A_51 : memref<1x40x128xi32, #tpu.memory_space<hbm>> -> memref<40x128xi32, #tpu.memory_space<hbm>>
      tpu.enqueue_dma source(%dma_start3A_52 : memref<40x128xi32, #tpu.memory_space<hbm>>) target(%arg7 : memref<40x128xi32, #tpu.memory_space<vmem>>) target_semaphore(%run_scoped3A : memref<!tpu.dma_semaphore, #tpu.memory_space<semaphore_mem>>)
      %dma_wait3A_53 = arith.constant 0 : i32
      %dma_wait3A_54 = arith.constant 0 : i32
      %dma_wait3A_55 = tpu.memref_slice %arg3[%add3A, %dma_wait3A_53, %dma_wait3A_54] : memref<32x80x128xi32, #tpu.memory_space<hbm>> -> memref<1x40x128xi32, #tpu.memory_space<hbm>>
      %dma_wait3A_56 = tpu.memref_squeeze %dma_wait3A_55 : memref<1x40x128xi32, #tpu.memory_space<hbm>> -> memref<40x128xi32, #tpu.memory_space<hbm>>
      %dma_wait3A_57 = arith.constant 0 : i32
      %dma_wait3A_58 = arith.constant 0 : i32
      %dma_wait3A_59 = tpu.memref_slice %arg3[%add3A, %dma_wait3A_57, %dma_wait3A_58] : memref<32x80x128xi32, #tpu.memory_space<hbm>> -> memref<1x40x128xi32, #tpu.memory_space<hbm>>
      %dma_wait3A_60 = tpu.memref_squeeze %dma_wait3A_59 : memref<1x40x128xi32, #tpu.memory_space<hbm>> -> memref<40x128xi32, #tpu.memory_space<hbm>>
      tpu.wait_dma2 semaphore(%run_scoped3A : memref<!tpu.dma_semaphore, #tpu.memory_space<semaphore_mem>>) src(%dma_wait3A_60 : memref<40x128xi32, #tpu.memory_space<hbm>>) dst(%arg7 : memref<40x128xi32, #tpu.memory_space<vmem>>)
      tpu.yield
    }) : () -> ()
    "tpu.region"() ({
      %run_scoped3A = tpu.sem_alloc : memref<!tpu.dma_semaphore, #tpu.memory_space<semaphore_mem>>
      %dma_start3A_45 = arith.constant 0 : i32
      %dma_start3A_46 = arith.constant 0 : i32
      %dma_start3A_47 = tpu.memref_slice %arg4[%add3A, %dma_start3A_45, %dma_start3A_46] : memref<32x80x128xi32, #tpu.memory_space<hbm>> -> memref<1x40x128xi32, #tpu.memory_space<hbm>>
      %dma_start3A_48 = tpu.memref_squeeze %dma_start3A_47 : memref<1x40x128xi32, #tpu.memory_space<hbm>> -> memref<40x128xi32, #tpu.memory_space<hbm>>
      %dma_start3A_49 = arith.constant 0 : i32
      %dma_start3A_50 = arith.constant 0 : i32
      %dma_start3A_51 = tpu.memref_slice %arg4[%add3A, %dma_start3A_49, %dma_start3A_50] : memref<32x80x128xi32, #tpu.memory_space<hbm>> -> memref<1x40x128xi32, #tpu.memory_space<hbm>>
      %dma_start3A_52 = tpu.memref_squeeze %dma_start3A_51 : memref<1x40x128xi32, #tpu.memory_space<hbm>> -> memref<40x128xi32, #tpu.memory_space<hbm>>
      tpu.enqueue_dma source(%dma_start3A_52 : memref<40x128xi32, #tpu.memory_space<hbm>>) target(%arg8 : memref<40x128xi32, #tpu.memory_space<vmem>>) target_semaphore(%run_scoped3A : memref<!tpu.dma_semaphore, #tpu.memory_space<semaphore_mem>>)
      %dma_wait3A_53 = arith.constant 0 : i32
      %dma_wait3A_54 = arith.constant 0 : i32
      %dma_wait3A_55 = tpu.memref_slice %arg4[%add3A, %dma_wait3A_53, %dma_wait3A_54] : memref<32x80x128xi32, #tpu.memory_space<hbm>> -> memref<1x40x128xi32, #tpu.memory_space<hbm>>
      %dma_wait3A_56 = tpu.memref_squeeze %dma_wait3A_55 : memref<1x40x128xi32, #tpu.memory_space<hbm>> -> memref<40x128xi32, #tpu.memory_space<hbm>>
      %dma_wait3A_57 = arith.constant 0 : i32
      %dma_wait3A_58 = arith.constant 0 : i32
      %dma_wait3A_59 = tpu.memref_slice %arg4[%add3A, %dma_wait3A_57, %dma_wait3A_58] : memref<32x80x128xi32, #tpu.memory_space<hbm>> -> memref<1x40x128xi32, #tpu.memory_space<hbm>>
      %dma_wait3A_60 = tpu.memref_squeeze %dma_wait3A_59 : memref<1x40x128xi32, #tpu.memory_space<hbm>> -> memref<40x128xi32, #tpu.memory_space<hbm>>
      tpu.wait_dma2 semaphore(%run_scoped3A : memref<!tpu.dma_semaphore, #tpu.memory_space<semaphore_mem>>) src(%dma_wait3A_60 : memref<40x128xi32, #tpu.memory_space<hbm>>) dst(%arg8 : memref<40x128xi32, #tpu.memory_space<vmem>>)
      tpu.yield
    }) : () -> ()
    %dma_start3A = arith.constant 0 : i32
    %dma_start3A_3 = arith.constant 0 : i32
    %dma_start3A_4 = tpu.memref_slice %arg7[%dma_start3A, %dma_start3A_3] : memref<40x128xi32, #tpu.memory_space<vmem>> -> memref<1x128xi32, #tpu.memory_space<vmem>>
    %dma_start3A_5 = tpu.memref_squeeze %dma_start3A_4 : memref<1x128xi32, #tpu.memory_space<vmem>> -> memref<128xi32, #tpu.memory_space<vmem>>
    %dma_start3A_6 = arith.constant 0 : i32
    %dma_start3A_7 = arith.constant 0 : i32
    %dma_start3A_8 = tpu.memref_slice %arg2[%dma_start3A_6, %dma_start3A_7] : memref<10000x128xf32, #tpu.memory_space<hbm>> -> memref<10000x128xf32, #tpu.memory_space<hbm>>
    tpu.enqueue_indirect_dma source(%dma_start3A_8 : memref<10000x128xf32, #tpu.memory_space<hbm>>) target(%arg9 : memref<128x128xf32, #tpu.memory_space<vmem>>) offsets(%dma_start3A_5 : memref<128xi32, #tpu.memory_space<vmem>>) semaphore(%arg12 : memref<!tpu.dma_semaphore, #tpu.memory_space<semaphore_mem>>)
    %scan3A = arith.constant 0 : i32
    %scan3A_9 = arith.constant 0 : i32
    %scan3A_10 = arith.constant 20 : i32
    %scan3A_11 = arith.addi %scan3A_9, %scan3A_10 : i32
    %scan3A_12 = arith.constant 1 : i32
    scf.for %scan3A_45 = %scan3A_9 to %scan3A_11 step %scan3A_12  : i32 {
      %mul3A_46 = arith.constant 2 : i32
      %mul3A_47 = arith.muli %scan3A_45, %mul3A_46 : i32
      %add3A_48 = arith.constant 0 : i32
      %add3A_49 = arith.addi %mul3A_47, %add3A_48 : i32
      %add3A_50 = arith.constant 1 : i32
      %add3A_51 = arith.addi %add3A_49, %add3A_50 : i32
      %rem3A = arith.constant 40 : i32
      %rem3A_52 = arith.remsi %add3A_51, %rem3A : i32
      %dma_start3A_53 = arith.constant 0 : i32
      %dma_start3A_54 = tpu.memref_slice %arg7[%rem3A_52, %dma_start3A_53] : memref<40x128xi32, #tpu.memory_space<vmem>> -> memref<1x128xi32, #tpu.memory_space<vmem>>
      %dma_start3A_55 = tpu.memref_squeeze %dma_start3A_54 : memref<1x128xi32, #tpu.memory_space<vmem>> -> memref<128xi32, #tpu.memory_space<vmem>>
      %dma_start3A_56 = arith.constant 0 : i32
      %dma_start3A_57 = arith.constant 0 : i32
      %dma_start3A_58 = tpu.memref_slice %arg2[%dma_start3A_56, %dma_start3A_57] : memref<10000x128xf32, #tpu.memory_space<hbm>> -> memref<10000x128xf32, #tpu.memory_space<hbm>>
      tpu.enqueue_indirect_dma source(%dma_start3A_58 : memref<10000x128xf32, #tpu.memory_space<hbm>>) target(%arg10 : memref<128x128xf32, #tpu.memory_space<vmem>>) offsets(%dma_start3A_55 : memref<128xi32, #tpu.memory_space<vmem>>) semaphore(%arg13 : memref<!tpu.dma_semaphore, #tpu.memory_space<semaphore_mem>>)
      %dma_wait3A_59 = arith.constant 0 : i32
      %dma_wait3A_60 = tpu.memref_slice %arg7[%add3A_49, %dma_wait3A_59] : memref<40x128xi32, #tpu.memory_space<vmem>> -> memref<1x128xi32, #tpu.memory_space<vmem>>
      %dma_wait3A_61 = tpu.memref_squeeze %dma_wait3A_60 : memref<1x128xi32, #tpu.memory_space<vmem>> -> memref<128xi32, #tpu.memory_space<vmem>>
      %dma_wait3A_62 = arith.constant 0 : i32
      %dma_wait3A_63 = arith.constant 0 : i32
      %dma_wait3A_64 = tpu.memref_slice %arg2[%dma_wait3A_62, %dma_wait3A_63] : memref<10000x128xf32, #tpu.memory_space<hbm>> -> memref<10000x128xf32, #tpu.memory_space<hbm>>
      tpu.wait_indirect_dma semaphore(%arg12 : memref<!tpu.dma_semaphore, #tpu.memory_space<semaphore_mem>>) src(%dma_wait3A_64 : memref<10000x128xf32, #tpu.memory_space<hbm>>) dst(%arg9 : memref<128x128xf32, #tpu.memory_space<vmem>>)
      "tpu.region"() ({
        %run_scoped3A = tpu.sem_alloc : memref<!tpu.dma_semaphore, #tpu.memory_space<semaphore_mem>>
        %dma_start3A_85 = arith.constant 0 : i32
        %dma_start3A_86 = tpu.memref_slice %arg8[%add3A_49, %dma_start3A_85] : memref<40x128xi32, #tpu.memory_space<vmem>> -> memref<1x128xi32, #tpu.memory_space<vmem>>
        %dma_start3A_87 = tpu.memref_squeeze %dma_start3A_86 : memref<1x128xi32, #tpu.memory_space<vmem>> -> memref<128xi32, #tpu.memory_space<vmem>>
        %dma_start3A_88 = arith.constant 0 : i32
        %dma_start3A_89 = arith.constant 0 : i32
        %dma_start3A_90 = tpu.memref_slice %arg11[%dma_start3A_88, %dma_start3A_89] : memref<10112x128xf32, #tpu.memory_space<vmem_shared>> -> memref<10112x128xf32, #tpu.memory_space<vmem_shared>>
        tpu.enqueue_indirect_dma source(%arg9 : memref<128x128xf32, #tpu.memory_space<vmem>>) target(%dma_start3A_90 : memref<10112x128xf32, #tpu.memory_space<vmem_shared>>) offsets(%dma_start3A_87 : memref<128xi32, #tpu.memory_space<vmem>>) semaphore(%run_scoped3A : memref<!tpu.dma_semaphore, #tpu.memory_space<semaphore_mem>>) {add = true}
        %dma_wait3A_91 = arith.constant 0 : i32
        %dma_wait3A_92 = tpu.memref_slice %arg8[%add3A_49, %dma_wait3A_91] : memref<40x128xi32, #tpu.memory_space<vmem>> -> memref<1x128xi32, #tpu.memory_space<vmem>>
        %dma_wait3A_93 = tpu.memref_squeeze %dma_wait3A_92 : memref<1x128xi32, #tpu.memory_space<vmem>> -> memref<128xi32, #tpu.memory_space<vmem>>
        %dma_wait3A_94 = arith.constant 0 : i32
        %dma_wait3A_95 = arith.constant 0 : i32
        %dma_wait3A_96 = tpu.memref_slice %arg11[%dma_wait3A_94, %dma_wait3A_95] : memref<10112x128xf32, #tpu.memory_space<vmem_shared>> -> memref<10112x128xf32, #tpu.memory_space<vmem_shared>>
        tpu.wait_indirect_dma semaphore(%run_scoped3A : memref<!tpu.dma_semaphore, #tpu.memory_space<semaphore_mem>>) src(%arg9 : memref<128x128xf32, #tpu.memory_space<vmem>>) dst(%dma_wait3A_96 : memref<10112x128xf32, #tpu.memory_space<vmem_shared>>)
        tpu.yield
      }) : () -> ()
      %mul3A_65 = arith.constant 2 : i32
      %mul3A_66 = arith.muli %scan3A_45, %mul3A_65 : i32
      %add3A_67 = arith.constant 1 : i32
      %add3A_68 = arith.addi %mul3A_66, %add3A_67 : i32
      %add3A_69 = arith.constant 1 : i32
      %add3A_70 = arith.addi %add3A_68, %add3A_69 : i32
      %rem3A_71 = arith.constant 40 : i32
      %rem3A_72 = arith.remsi %add3A_70, %rem3A_71 : i32
      %dma_start3A_73 = arith.constant 0 : i32
      %dma_start3A_74 = tpu.memref_slice %arg7[%rem3A_72, %dma_start3A_73] : memref<40x128xi32, #tpu.memory_space<vmem>> -> memref<1x128xi32, #tpu.memory_space<vmem>>
      %dma_start3A_75 = tpu.memref_squeeze %dma_start3A_74 : memref<1x128xi32, #tpu.memory_space<vmem>> -> memref<128xi32, #tpu.memory_space<vmem>>
      %dma_start3A_76 = arith.constant 0 : i32
      %dma_start3A_77 = arith.constant 0 : i32
      %dma_start3A_78 = tpu.memref_slice %arg2[%dma_start3A_76, %dma_start3A_77] : memref<10000x128xf32, #tpu.memory_space<hbm>> -> memref<10000x128xf32, #tpu.memory_space<hbm>>
      tpu.enqueue_indirect_dma source(%dma_start3A_78 : memref<10000x128xf32, #tpu.memory_space<hbm>>) target(%arg9 : memref<128x128xf32, #tpu.memory_space<vmem>>) offsets(%dma_start3A_75 : memref<128xi32, #tpu.memory_space<vmem>>) semaphore(%arg12 : memref<!tpu.dma_semaphore, #tpu.memory_space<semaphore_mem>>)
      %dma_wait3A_79 = arith.constant 0 : i32
      %dma_wait3A_80 = tpu.memref_slice %arg7[%add3A_68, %dma_wait3A_79] : memref<40x128xi32, #tpu.memory_space<vmem>> -> memref<1x128xi32, #tpu.memory_space<vmem>>
      %dma_wait3A_81 = tpu.memref_squeeze %dma_wait3A_80 : memref<1x128xi32, #tpu.memory_space<vmem>> -> memref<128xi32, #tpu.memory_space<vmem>>
      %dma_wait3A_82 = arith.constant 0 : i32
      %dma_wait3A_83 = arith.constant 0 : i32
      %dma_wait3A_84 = tpu.memref_slice %arg2[%dma_wait3A_82, %dma_wait3A_83] : memref<10000x128xf32, #tpu.memory_space<hbm>> -> memref<10000x128xf32, #tpu.memory_space<hbm>>
      tpu.wait_indirect_dma semaphore(%arg13 : memref<!tpu.dma_semaphore, #tpu.memory_space<semaphore_mem>>) src(%dma_wait3A_84 : memref<10000x128xf32, #tpu.memory_space<hbm>>) dst(%arg10 : memref<128x128xf32, #tpu.memory_space<vmem>>)
      "tpu.region"() ({
        %run_scoped3A = tpu.sem_alloc : memref<!tpu.dma_semaphore, #tpu.memory_space<semaphore_mem>>
        %dma_start3A_85 = arith.constant 0 : i32
        %dma_start3A_86 = tpu.memref_slice %arg8[%add3A_68, %dma_start3A_85] : memref<40x128xi32, #tpu.memory_space<vmem>> -> memref<1x128xi32, #tpu.memory_space<vmem>>
        %dma_start3A_87 = tpu.memref_squeeze %dma_start3A_86 : memref<1x128xi32, #tpu.memory_space<vmem>> -> memref<128xi32, #tpu.memory_space<vmem>>
        %dma_start3A_88 = arith.constant 0 : i32
        %dma_start3A_89 = arith.constant 0 : i32
        %dma_start3A_90 = tpu.memref_slice %arg11[%dma_start3A_88, %dma_start3A_89] : memref<10112x128xf32, #tpu.memory_space<vmem_shared>> -> memref<10112x128xf32, #tpu.memory_space<vmem_shared>>
        tpu.enqueue_indirect_dma source(%arg10 : memref<128x128xf32, #tpu.memory_space<vmem>>) target(%dma_start3A_90 : memref<10112x128xf32, #tpu.memory_space<vmem_shared>>) offsets(%dma_start3A_87 : memref<128xi32, #tpu.memory_space<vmem>>) semaphore(%run_scoped3A : memref<!tpu.dma_semaphore, #tpu.memory_space<semaphore_mem>>) {add = true}
        %dma_wait3A_91 = arith.constant 0 : i32
        %dma_wait3A_92 = tpu.memref_slice %arg8[%add3A_68, %dma_wait3A_91] : memref<40x128xi32, #tpu.memory_space<vmem>> -> memref<1x128xi32, #tpu.memory_space<vmem>>
        %dma_wait3A_93 = tpu.memref_squeeze %dma_wait3A_92 : memref<1x128xi32, #tpu.memory_space<vmem>> -> memref<128xi32, #tpu.memory_space<vmem>>
        %dma_wait3A_94 = arith.constant 0 : i32
        %dma_wait3A_95 = arith.constant 0 : i32
        %dma_wait3A_96 = tpu.memref_slice %arg11[%dma_wait3A_94, %dma_wait3A_95] : memref<10112x128xf32, #tpu.memory_space<vmem_shared>> -> memref<10112x128xf32, #tpu.memory_space<vmem_shared>>
        tpu.wait_indirect_dma semaphore(%run_scoped3A : memref<!tpu.dma_semaphore, #tpu.memory_space<semaphore_mem>>) src(%arg10 : memref<128x128xf32, #tpu.memory_space<vmem>>) dst(%dma_wait3A_96 : memref<10112x128xf32, #tpu.memory_space<vmem_shared>>)
        tpu.yield
      }) : () -> ()
    }
    %scan3A_13 = arith.constant 20 : i32
    %dma_wait3A = arith.constant 0 : i32
    %dma_wait3A_14 = arith.constant 0 : i32
    %dma_wait3A_15 = tpu.memref_slice %arg7[%dma_wait3A, %dma_wait3A_14] : memref<40x128xi32, #tpu.memory_space<vmem>> -> memref<1x128xi32, #tpu.memory_space<vmem>>
    %dma_wait3A_16 = tpu.memref_squeeze %dma_wait3A_15 : memref<1x128xi32, #tpu.memory_space<vmem>> -> memref<128xi32, #tpu.memory_space<vmem>>
    %dma_wait3A_17 = arith.constant 0 : i32
    %dma_wait3A_18 = arith.constant 0 : i32
    %dma_wait3A_19 = tpu.memref_slice %arg2[%dma_wait3A_17, %dma_wait3A_18] : memref<10000x128xf32, #tpu.memory_space<hbm>> -> memref<10000x128xf32, #tpu.memory_space<hbm>>
    tpu.wait_indirect_dma semaphore(%arg12 : memref<!tpu.dma_semaphore, #tpu.memory_space<semaphore_mem>>) src(%dma_wait3A_19 : memref<10000x128xf32, #tpu.memory_space<hbm>>) dst(%arg9 : memref<128x128xf32, #tpu.memory_space<vmem>>)
    "tpu.region"() ({
      %run_scoped3A = tpu.sem_alloc : memref<!tpu.dma_semaphore, #tpu.memory_space<semaphore_mem>>
      %dma_start3A_45 = arith.constant 40 : i32
      %dma_start3A_46 = arith.constant 0 : i32
      %dma_start3A_47 = tpu.memref_slice %arg3[%add3A, %dma_start3A_45, %dma_start3A_46] : memref<32x80x128xi32, #tpu.memory_space<hbm>> -> memref<1x40x128xi32, #tpu.memory_space<hbm>>
      %dma_start3A_48 = tpu.memref_squeeze %dma_start3A_47 : memref<1x40x128xi32, #tpu.memory_space<hbm>> -> memref<40x128xi32, #tpu.memory_space<hbm>>
      %dma_start3A_49 = arith.constant 40 : i32
      %dma_start3A_50 = arith.constant 0 : i32
      %dma_start3A_51 = tpu.memref_slice %arg3[%add3A, %dma_start3A_49, %dma_start3A_50] : memref<32x80x128xi32, #tpu.memory_space<hbm>> -> memref<1x40x128xi32, #tpu.memory_space<hbm>>
      %dma_start3A_52 = tpu.memref_squeeze %dma_start3A_51 : memref<1x40x128xi32, #tpu.memory_space<hbm>> -> memref<40x128xi32, #tpu.memory_space<hbm>>
      tpu.enqueue_dma source(%dma_start3A_52 : memref<40x128xi32, #tpu.memory_space<hbm>>) target(%arg7 : memref<40x128xi32, #tpu.memory_space<vmem>>) target_semaphore(%run_scoped3A : memref<!tpu.dma_semaphore, #tpu.memory_space<semaphore_mem>>)
      %dma_wait3A_53 = arith.constant 40 : i32
      %dma_wait3A_54 = arith.constant 0 : i32
      %dma_wait3A_55 = tpu.memref_slice %arg3[%add3A, %dma_wait3A_53, %dma_wait3A_54] : memref<32x80x128xi32, #tpu.memory_space<hbm>> -> memref<1x40x128xi32, #tpu.memory_space<hbm>>
      %dma_wait3A_56 = tpu.memref_squeeze %dma_wait3A_55 : memref<1x40x128xi32, #tpu.memory_space<hbm>> -> memref<40x128xi32, #tpu.memory_space<hbm>>
      %dma_wait3A_57 = arith.constant 40 : i32
      %dma_wait3A_58 = arith.constant 0 : i32
      %dma_wait3A_59 = tpu.memref_slice %arg3[%add3A, %dma_wait3A_57, %dma_wait3A_58] : memref<32x80x128xi32, #tpu.memory_space<hbm>> -> memref<1x40x128xi32, #tpu.memory_space<hbm>>
      %dma_wait3A_60 = tpu.memref_squeeze %dma_wait3A_59 : memref<1x40x128xi32, #tpu.memory_space<hbm>> -> memref<40x128xi32, #tpu.memory_space<hbm>>
      tpu.wait_dma2 semaphore(%run_scoped3A : memref<!tpu.dma_semaphore, #tpu.memory_space<semaphore_mem>>) src(%dma_wait3A_60 : memref<40x128xi32, #tpu.memory_space<hbm>>) dst(%arg7 : memref<40x128xi32, #tpu.memory_space<vmem>>)
      tpu.yield
    }) : () -> ()
    "tpu.region"() ({
      %run_scoped3A = tpu.sem_alloc : memref<!tpu.dma_semaphore, #tpu.memory_space<semaphore_mem>>
      %dma_start3A_45 = arith.constant 40 : i32
      %dma_start3A_46 = arith.constant 0 : i32
      %dma_start3A_47 = tpu.memref_slice %arg4[%add3A, %dma_start3A_45, %dma_start3A_46] : memref<32x80x128xi32, #tpu.memory_space<hbm>> -> memref<1x40x128xi32, #tpu.memory_space<hbm>>
      %dma_start3A_48 = tpu.memref_squeeze %dma_start3A_47 : memref<1x40x128xi32, #tpu.memory_space<hbm>> -> memref<40x128xi32, #tpu.memory_space<hbm>>
      %dma_start3A_49 = arith.constant 40 : i32
      %dma_start3A_50 = arith.constant 0 : i32
      %dma_start3A_51 = tpu.memref_slice %arg4[%add3A, %dma_start3A_49, %dma_start3A_50] : memref<32x80x128xi32, #tpu.memory_space<hbm>> -> memref<1x40x128xi32, #tpu.memory_space<hbm>>
      %dma_start3A_52 = tpu.memref_squeeze %dma_start3A_51 : memref<1x40x128xi32, #tpu.memory_space<hbm>> -> memref<40x128xi32, #tpu.memory_space<hbm>>
      tpu.enqueue_dma source(%dma_start3A_52 : memref<40x128xi32, #tpu.memory_space<hbm>>) target(%arg8 : memref<40x128xi32, #tpu.memory_space<vmem>>) target_semaphore(%run_scoped3A : memref<!tpu.dma_semaphore, #tpu.memory_space<semaphore_mem>>)
      %dma_wait3A_53 = arith.constant 40 : i32
      %dma_wait3A_54 = arith.constant 0 : i32
      %dma_wait3A_55 = tpu.memref_slice %arg4[%add3A, %dma_wait3A_53, %dma_wait3A_54] : memref<32x80x128xi32, #tpu.memory_space<hbm>> -> memref<1x40x128xi32, #tpu.memory_space<hbm>>
      %dma_wait3A_56 = tpu.memref_squeeze %dma_wait3A_55 : memref<1x40x128xi32, #tpu.memory_space<hbm>> -> memref<40x128xi32, #tpu.memory_space<hbm>>
      %dma_wait3A_57 = arith.constant 40 : i32
      %dma_wait3A_58 = arith.constant 0 : i32
      %dma_wait3A_59 = tpu.memref_slice %arg4[%add3A, %dma_wait3A_57, %dma_wait3A_58] : memref<32x80x128xi32, #tpu.memory_space<hbm>> -> memref<1x40x128xi32, #tpu.memory_space<hbm>>
      %dma_wait3A_60 = tpu.memref_squeeze %dma_wait3A_59 : memref<1x40x128xi32, #tpu.memory_space<hbm>> -> memref<40x128xi32, #tpu.memory_space<hbm>>
      tpu.wait_dma2 semaphore(%run_scoped3A : memref<!tpu.dma_semaphore, #tpu.memory_space<semaphore_mem>>) src(%dma_wait3A_60 : memref<40x128xi32, #tpu.memory_space<hbm>>) dst(%arg8 : memref<40x128xi32, #tpu.memory_space<vmem>>)
      tpu.yield
    }) : () -> ()
    %dma_start3A_20 = arith.constant 0 : i32
    %dma_start3A_21 = arith.constant 0 : i32
    %dma_start3A_22 = tpu.memref_slice %arg7[%dma_start3A_20, %dma_start3A_21] : memref<40x128xi32, #tpu.memory_space<vmem>> -> memref<1x128xi32, #tpu.memory_space<vmem>>
    %dma_start3A_23 = tpu.memref_squeeze %dma_start3A_22 : memref<1x128xi32, #tpu.memory_space<vmem>> -> memref<128xi32, #tpu.memory_space<vmem>>
    %dma_start3A_24 = arith.constant 0 : i32
    %dma_start3A_25 = arith.constant 0 : i32
    %dma_start3A_26 = tpu.memref_slice %arg2[%dma_start3A_24, %dma_start3A_25] : memref<10000x128xf32, #tpu.memory_space<hbm>> -> memref<10000x128xf32, #tpu.memory_space<hbm>>
    tpu.enqueue_indirect_dma source(%dma_start3A_26 : memref<10000x128xf32, #tpu.memory_space<hbm>>) target(%arg9 : memref<128x128xf32, #tpu.memory_space<vmem>>) offsets(%dma_start3A_23 : memref<128xi32, #tpu.memory_space<vmem>>) semaphore(%arg12 : memref<!tpu.dma_semaphore, #tpu.memory_space<semaphore_mem>>)
    %scan3A_27 = arith.constant 0 : i32
    %scan3A_28 = arith.constant 0 : i32
    %scan3A_29 = arith.constant 20 : i32
    %scan3A_30 = arith.addi %scan3A_28, %scan3A_29 : i32
    %scan3A_31 = arith.constant 1 : i32
    scf.for %scan3A_45 = %scan3A_28 to %scan3A_30 step %scan3A_31  : i32 {
      %mul3A_46 = arith.constant 2 : i32
      %mul3A_47 = arith.muli %scan3A_45, %mul3A_46 : i32
      %add3A_48 = arith.constant 0 : i32
      %add3A_49 = arith.addi %mul3A_47, %add3A_48 : i32
      %add3A_50 = arith.constant 1 : i32
      %add3A_51 = arith.addi %add3A_49, %add3A_50 : i32
      %rem3A = arith.constant 40 : i32
      %rem3A_52 = arith.remsi %add3A_51, %rem3A : i32
      %dma_start3A_53 = arith.constant 0 : i32
      %dma_start3A_54 = tpu.memref_slice %arg7[%rem3A_52, %dma_start3A_53] : memref<40x128xi32, #tpu.memory_space<vmem>> -> memref<1x128xi32, #tpu.memory_space<vmem>>
      %dma_start3A_55 = tpu.memref_squeeze %dma_start3A_54 : memref<1x128xi32, #tpu.memory_space<vmem>> -> memref<128xi32, #tpu.memory_space<vmem>>
      %dma_start3A_56 = arith.constant 0 : i32
      %dma_start3A_57 = arith.constant 0 : i32
      %dma_start3A_58 = tpu.memref_slice %arg2[%dma_start3A_56, %dma_start3A_57] : memref<10000x128xf32, #tpu.memory_space<hbm>> -> memref<10000x128xf32, #tpu.memory_space<hbm>>
      tpu.enqueue_indirect_dma source(%dma_start3A_58 : memref<10000x128xf32, #tpu.memory_space<hbm>>) target(%arg10 : memref<128x128xf32, #tpu.memory_space<vmem>>) offsets(%dma_start3A_55 : memref<128xi32, #tpu.memory_space<vmem>>) semaphore(%arg13 : memref<!tpu.dma_semaphore, #tpu.memory_space<semaphore_mem>>)
      %dma_wait3A_59 = arith.constant 0 : i32
      %dma_wait3A_60 = tpu.memref_slice %arg7[%add3A_49, %dma_wait3A_59] : memref<40x128xi32, #tpu.memory_space<vmem>> -> memref<1x128xi32, #tpu.memory_space<vmem>>
      %dma_wait3A_61 = tpu.memref_squeeze %dma_wait3A_60 : memref<1x128xi32, #tpu.memory_space<vmem>> -> memref<128xi32, #tpu.memory_space<vmem>>
      %dma_wait3A_62 = arith.constant 0 : i32
      %dma_wait3A_63 = arith.constant 0 : i32
      %dma_wait3A_64 = tpu.memref_slice %arg2[%dma_wait3A_62, %dma_wait3A_63] : memref<10000x128xf32, #tpu.memory_space<hbm>> -> memref<10000x128xf32, #tpu.memory_space<hbm>>
      tpu.wait_indirect_dma semaphore(%arg12 : memref<!tpu.dma_semaphore, #tpu.memory_space<semaphore_mem>>) src(%dma_wait3A_64 : memref<10000x128xf32, #tpu.memory_space<hbm>>) dst(%arg9 : memref<128x128xf32, #tpu.memory_space<vmem>>)
      "tpu.region"() ({
        %run_scoped3A = tpu.sem_alloc : memref<!tpu.dma_semaphore, #tpu.memory_space<semaphore_mem>>
        %dma_start3A_85 = arith.constant 0 : i32
        %dma_start3A_86 = tpu.memref_slice %arg8[%add3A_49, %dma_start3A_85] : memref<40x128xi32, #tpu.memory_space<vmem>> -> memref<1x128xi32, #tpu.memory_space<vmem>>
        %dma_start3A_87 = tpu.memref_squeeze %dma_start3A_86 : memref<1x128xi32, #tpu.memory_space<vmem>> -> memref<128xi32, #tpu.memory_space<vmem>>
        %dma_start3A_88 = arith.constant 0 : i32
        %dma_start3A_89 = arith.constant 0 : i32
        %dma_start3A_90 = tpu.memref_slice %arg11[%dma_start3A_88, %dma_start3A_89] : memref<10112x128xf32, #tpu.memory_space<vmem_shared>> -> memref<10112x128xf32, #tpu.memory_space<vmem_shared>>
        tpu.enqueue_indirect_dma source(%arg9 : memref<128x128xf32, #tpu.memory_space<vmem>>) target(%dma_start3A_90 : memref<10112x128xf32, #tpu.memory_space<vmem_shared>>) offsets(%dma_start3A_87 : memref<128xi32, #tpu.memory_space<vmem>>) semaphore(%run_scoped3A : memref<!tpu.dma_semaphore, #tpu.memory_space<semaphore_mem>>) {add = true}
        %dma_wait3A_91 = arith.constant 0 : i32
        %dma_wait3A_92 = tpu.memref_slice %arg8[%add3A_49, %dma_wait3A_91] : memref<40x128xi32, #tpu.memory_space<vmem>> -> memref<1x128xi32, #tpu.memory_space<vmem>>
        %dma_wait3A_93 = tpu.memref_squeeze %dma_wait3A_92 : memref<1x128xi32, #tpu.memory_space<vmem>> -> memref<128xi32, #tpu.memory_space<vmem>>
        %dma_wait3A_94 = arith.constant 0 : i32
        %dma_wait3A_95 = arith.constant 0 : i32
        %dma_wait3A_96 = tpu.memref_slice %arg11[%dma_wait3A_94, %dma_wait3A_95] : memref<10112x128xf32, #tpu.memory_space<vmem_shared>> -> memref<10112x128xf32, #tpu.memory_space<vmem_shared>>
        tpu.wait_indirect_dma semaphore(%run_scoped3A : memref<!tpu.dma_semaphore, #tpu.memory_space<semaphore_mem>>) src(%arg9 : memref<128x128xf32, #tpu.memory_space<vmem>>) dst(%dma_wait3A_96 : memref<10112x128xf32, #tpu.memory_space<vmem_shared>>)
        tpu.yield
      }) : () -> ()
      %mul3A_65 = arith.constant 2 : i32
      %mul3A_66 = arith.muli %scan3A_45, %mul3A_65 : i32
      %add3A_67 = arith.constant 1 : i32
      %add3A_68 = arith.addi %mul3A_66, %add3A_67 : i32
      %add3A_69 = arith.constant 1 : i32
      %add3A_70 = arith.addi %add3A_68, %add3A_69 : i32
      %rem3A_71 = arith.constant 40 : i32
      %rem3A_72 = arith.remsi %add3A_70, %rem3A_71 : i32
      %dma_start3A_73 = arith.constant 0 : i32
      %dma_start3A_74 = tpu.memref_slice %arg7[%rem3A_72, %dma_start3A_73] : memref<40x128xi32, #tpu.memory_space<vmem>> -> memref<1x128xi32, #tpu.memory_space<vmem>>
      %dma_start3A_75 = tpu.memref_squeeze %dma_start3A_74 : memref<1x128xi32, #tpu.memory_space<vmem>> -> memref<128xi32, #tpu.memory_space<vmem>>
      %dma_start3A_76 = arith.constant 0 : i32
      %dma_start3A_77 = arith.constant 0 : i32
      %dma_start3A_78 = tpu.memref_slice %arg2[%dma_start3A_76, %dma_start3A_77] : memref<10000x128xf32, #tpu.memory_space<hbm>> -> memref<10000x128xf32, #tpu.memory_space<hbm>>
      tpu.enqueue_indirect_dma source(%dma_start3A_78 : memref<10000x128xf32, #tpu.memory_space<hbm>>) target(%arg9 : memref<128x128xf32, #tpu.memory_space<vmem>>) offsets(%dma_start3A_75 : memref<128xi32, #tpu.memory_space<vmem>>) semaphore(%arg12 : memref<!tpu.dma_semaphore, #tpu.memory_space<semaphore_mem>>)
      %dma_wait3A_79 = arith.constant 0 : i32
      %dma_wait3A_80 = tpu.memref_slice %arg7[%add3A_68, %dma_wait3A_79] : memref<40x128xi32, #tpu.memory_space<vmem>> -> memref<1x128xi32, #tpu.memory_space<vmem>>
      %dma_wait3A_81 = tpu.memref_squeeze %dma_wait3A_80 : memref<1x128xi32, #tpu.memory_space<vmem>> -> memref<128xi32, #tpu.memory_space<vmem>>
      %dma_wait3A_82 = arith.constant 0 : i32
      %dma_wait3A_83 = arith.constant 0 : i32
      %dma_wait3A_84 = tpu.memref_slice %arg2[%dma_wait3A_82, %dma_wait3A_83] : memref<10000x128xf32, #tpu.memory_space<hbm>> -> memref<10000x128xf32, #tpu.memory_space<hbm>>
      tpu.wait_indirect_dma semaphore(%arg13 : memref<!tpu.dma_semaphore, #tpu.memory_space<semaphore_mem>>) src(%dma_wait3A_84 : memref<10000x128xf32, #tpu.memory_space<hbm>>) dst(%arg10 : memref<128x128xf32, #tpu.memory_space<vmem>>)
      "tpu.region"() ({
        %run_scoped3A = tpu.sem_alloc : memref<!tpu.dma_semaphore, #tpu.memory_space<semaphore_mem>>
        %dma_start3A_85 = arith.constant 0 : i32
        %dma_start3A_86 = tpu.memref_slice %arg8[%add3A_68, %dma_start3A_85] : memref<40x128xi32, #tpu.memory_space<vmem>> -> memref<1x128xi32, #tpu.memory_space<vmem>>
        %dma_start3A_87 = tpu.memref_squeeze %dma_start3A_86 : memref<1x128xi32, #tpu.memory_space<vmem>> -> memref<128xi32, #tpu.memory_space<vmem>>
        %dma_start3A_88 = arith.constant 0 : i32
        %dma_start3A_89 = arith.constant 0 : i32
        %dma_start3A_90 = tpu.memref_slice %arg11[%dma_start3A_88, %dma_start3A_89] : memref<10112x128xf32, #tpu.memory_space<vmem_shared>> -> memref<10112x128xf32, #tpu.memory_space<vmem_shared>>
        tpu.enqueue_indirect_dma source(%arg10 : memref<128x128xf32, #tpu.memory_space<vmem>>) target(%dma_start3A_90 : memref<10112x128xf32, #tpu.memory_space<vmem_shared>>) offsets(%dma_start3A_87 : memref<128xi32, #tpu.memory_space<vmem>>) semaphore(%run_scoped3A : memref<!tpu.dma_semaphore, #tpu.memory_space<semaphore_mem>>) {add = true}
        %dma_wait3A_91 = arith.constant 0 : i32
        %dma_wait3A_92 = tpu.memref_slice %arg8[%add3A_68, %dma_wait3A_91] : memref<40x128xi32, #tpu.memory_space<vmem>> -> memref<1x128xi32, #tpu.memory_space<vmem>>
        %dma_wait3A_93 = tpu.memref_squeeze %dma_wait3A_92 : memref<1x128xi32, #tpu.memory_space<vmem>> -> memref<128xi32, #tpu.memory_space<vmem>>
        %dma_wait3A_94 = arith.constant 0 : i32
        %dma_wait3A_95 = arith.constant 0 : i32
        %dma_wait3A_96 = tpu.memref_slice %arg11[%dma_wait3A_94, %dma_wait3A_95] : memref<10112x128xf32, #tpu.memory_space<vmem_shared>> -> memref<10112x128xf32, #tpu.memory_space<vmem_shared>>
        tpu.wait_indirect_dma semaphore(%run_scoped3A : memref<!tpu.dma_semaphore, #tpu.memory_space<semaphore_mem>>) src(%arg10 : memref<128x128xf32, #tpu.memory_space<vmem>>) dst(%dma_wait3A_96 : memref<10112x128xf32, #tpu.memory_space<vmem_shared>>)
        tpu.yield
      }) : () -> ()
    }
    %scan3A_32 = arith.constant 20 : i32
    %dma_wait3A_33 = arith.constant 0 : i32
    %dma_wait3A_34 = arith.constant 0 : i32
    %dma_wait3A_35 = tpu.memref_slice %arg7[%dma_wait3A_33, %dma_wait3A_34] : memref<40x128xi32, #tpu.memory_space<vmem>> -> memref<1x128xi32, #tpu.memory_space<vmem>>
    %dma_wait3A_36 = tpu.memref_squeeze %dma_wait3A_35 : memref<1x128xi32, #tpu.memory_space<vmem>> -> memref<128xi32, #tpu.memory_space<vmem>>
    %dma_wait3A_37 = arith.constant 0 : i32
    %dma_wait3A_38 = arith.constant 0 : i32
    %dma_wait3A_39 = tpu.memref_slice %arg2[%dma_wait3A_37, %dma_wait3A_38] : memref<10000x128xf32, #tpu.memory_space<hbm>> -> memref<10000x128xf32, #tpu.memory_space<hbm>>
    tpu.wait_indirect_dma semaphore(%arg12 : memref<!tpu.dma_semaphore, #tpu.memory_space<semaphore_mem>>) src(%dma_wait3A_39 : memref<10000x128xf32, #tpu.memory_space<hbm>>) dst(%arg9 : memref<128x128xf32, #tpu.memory_space<vmem>>)
    %barrier3A_40 = arith.constant 0 : index
    tpu.barrier barrier_id(%barrier3A_40)
    %mul3A_41 = arith.constant 632 : i32
    %mul3A_42 = arith.muli %arg1, %mul3A_41 : i32
    %mul3A_43 = arith.constant 632 : i32
    %mul3A_44 = arith.muli %arg1, %mul3A_43 : i32
    "tpu.region"() ({
      %run_scoped3A = tpu.sem_alloc : memref<!tpu.dma_semaphore, #tpu.memory_space<semaphore_mem>>
      %dma_start3A_45 = arith.constant 0 : i32
      %dma_start3A_46 = tpu.memref_slice %arg6[%arg0, %mul3A_44, %dma_start3A_45] : memref<2x10112x128xf32, #tpu.memory_space<hbm>> -> memref<1x632x128xf32, #tpu.memory_space<hbm>>
      %dma_start3A_47 = tpu.memref_squeeze %dma_start3A_46 : memref<1x632x128xf32, #tpu.memory_space<hbm>> -> memref<632x128xf32, #tpu.memory_space<hbm>>
      %dma_start3A_48 = arith.constant 0 : i32
      %dma_start3A_49 = tpu.memref_slice %arg11[%mul3A_42, %dma_start3A_48] : memref<10112x128xf32, #tpu.memory_space<vmem_shared>> -> memref<632x128xf32, #tpu.memory_space<vmem_shared>>
      tpu.enqueue_dma source(%dma_start3A_49 : memref<632x128xf32, #tpu.memory_space<vmem_shared>>) target(%dma_start3A_47 : memref<632x128xf32, #tpu.memory_space<hbm>>) target_semaphore(%run_scoped3A : memref<!tpu.dma_semaphore, #tpu.memory_space<semaphore_mem>>)
      %dma_wait3A_50 = arith.constant 0 : i32
      %dma_wait3A_51 = tpu.memref_slice %arg6[%arg0, %mul3A_44, %dma_wait3A_50] : memref<2x10112x128xf32, #tpu.memory_space<hbm>> -> memref<1x632x128xf32, #tpu.memory_space<hbm>>
      %dma_wait3A_52 = tpu.memref_squeeze %dma_wait3A_51 : memref<1x632x128xf32, #tpu.memory_space<hbm>> -> memref<632x128xf32, #tpu.memory_space<hbm>>
      %dma_wait3A_53 = arith.constant 0 : i32
      %dma_wait3A_54 = tpu.memref_slice %arg11[%mul3A_42, %dma_wait3A_53] : memref<10112x128xf32, #tpu.memory_space<vmem_shared>> -> memref<632x128xf32, #tpu.memory_space<vmem_shared>>
      tpu.wait_dma2 semaphore(%run_scoped3A : memref<!tpu.dma_semaphore, #tpu.memory_space<semaphore_mem>>) src(%dma_wait3A_54 : memref<632x128xf32, #tpu.memory_space<vmem_shared>>) dst(%dma_wait3A_52 : memref<632x128xf32, #tpu.memory_space<hbm>>)
      tpu.yield
    }) : () -> ()
    return
  }
}

#map = affine_map<(d0, d1) -> (0, 0)>
#map1 = affine_map<(d0, d1) -> (0, 0, 0)>
module attributes {stable_mosaic.version = 14 : i64} {
  func.func @msg_kernel(%arg0: i32, %arg1: i32, %arg2: memref<10000x128xf32, #tpu.memory_space<hbm>>, %arg3: memref<32x80x128xi32, #tpu.memory_space<hbm>>, %arg4: memref<32x80x128xi32, #tpu.memory_space<hbm>>, %arg5: memref<632x128xf32, #tpu.memory_space<hbm>>, %arg6: memref<2x10112x128xf32, #tpu.memory_space<hbm>>, %arg7: memref<40x128xi32, #tpu.memory_space<vmem>>, %arg8: memref<40x128xi32, #tpu.memory_space<vmem>>, %arg9: memref<128x128xf32, #tpu.memory_space<vmem>>, %arg10: memref<128x128xf32, #tpu.memory_space<vmem>>, %arg11: memref<10112x128xf32, #tpu.memory_space<vmem_shared>>, %arg12: memref<!tpu.dma_semaphore, #tpu.memory_space<semaphore_mem>>, %arg13: memref<!tpu.dma_semaphore, #tpu.memory_space<semaphore_mem>>) attributes {dimension_semantics = [#tpu.dimension_semantics<core_parallel>, #tpu.dimension_semantics<subcore_parallel>], iteration_bounds = array<i64: 2, 16>, scalar_prefetch = 0 : i64, scratch_operands = 7 : i64, tpu.core_type = #tpu.core_type<sc_vector_subcore>, window_params = [{transform_indices = #map}, {transform_indices = #map1}, {transform_indices = #map1}, {transform_indices = #map}, {transform_indices = #map1}]} {
    %mul3A = arith.constant 2 : i32
    %mul3A_0 = arith.muli %arg1, %mul3A : i32
    %add3A = arith.addi %mul3A_0, %arg0 : i32
    %mul3A_1 = arith.constant 632 : i32
    %mul3A_2 = arith.muli %arg1, %mul3A_1 : i32
    "tpu.region"() ({
      %run_scoped3A = tpu.sem_alloc : memref<!tpu.dma_semaphore, #tpu.memory_space<semaphore_mem>>
      %dma_start3A_45 = arith.constant 0 : i32
      %dma_start3A_46 = tpu.memref_slice %arg11[%mul3A_2, %dma_start3A_45] : memref<10112x128xf32, #tpu.memory_space<vmem_shared>> -> memref<632x128xf32, #tpu.memory_space<vmem_shared>>
      tpu.enqueue_dma source(%arg5 : memref<632x128xf32, #tpu.memory_space<hbm>>) target(%dma_start3A_46 : memref<632x128xf32, #tpu.memory_space<vmem_shared>>) target_semaphore(%run_scoped3A : memref<!tpu.dma_semaphore, #tpu.memory_space<semaphore_mem>>)
      %dma_wait3A_47 = arith.constant 0 : i32
      %dma_wait3A_48 = tpu.memref_slice %arg11[%mul3A_2, %dma_wait3A_47] : memref<10112x128xf32, #tpu.memory_space<vmem_shared>> -> memref<632x128xf32, #tpu.memory_space<vmem_shared>>
      tpu.wait_dma2 semaphore(%run_scoped3A : memref<!tpu.dma_semaphore, #tpu.memory_space<semaphore_mem>>) src(%arg5 : memref<632x128xf32, #tpu.memory_space<hbm>>) dst(%dma_wait3A_48 : memref<632x128xf32, #tpu.memory_space<vmem_shared>>)
      tpu.yield
    }) : () -> ()
    %barrier3A = arith.constant 0 : index
    tpu.barrier barrier_id(%barrier3A)
    "tpu.region"() ({
      %run_scoped3A = tpu.sem_alloc : memref<!tpu.dma_semaphore, #tpu.memory_space<semaphore_mem>>
      %dma_start3A_45 = arith.constant 0 : i32
      %dma_start3A_46 = arith.constant 0 : i32
      %dma_start3A_47 = tpu.memref_slice %arg3[%add3A, %dma_start3A_45, %dma_start3A_46] : memref<32x80x128xi32, #tpu.memory_space<hbm>> -> memref<1x40x128xi32, #tpu.memory_space<hbm>>
      %dma_start3A_48 = tpu.memref_squeeze %dma_start3A_47 : memref<1x40x128xi32, #tpu.memory_space<hbm>> -> memref<40x128xi32, #tpu.memory_space<hbm>>
      %dma_start3A_49 = arith.constant 0 : i32
      %dma_start3A_50 = arith.constant 0 : i32
      %dma_start3A_51 = tpu.memref_slice %arg3[%add3A, %dma_start3A_49, %dma_start3A_50] : memref<32x80x128xi32, #tpu.memory_space<hbm>> -> memref<1x40x128xi32, #tpu.memory_space<hbm>>
      %dma_start3A_52 = tpu.memref_squeeze %dma_start3A_51 : memref<1x40x128xi32, #tpu.memory_space<hbm>> -> memref<40x128xi32, #tpu.memory_space<hbm>>
      tpu.enqueue_dma source(%dma_start3A_52 : memref<40x128xi32, #tpu.memory_space<hbm>>) target(%arg7 : memref<40x128xi32, #tpu.memory_space<vmem>>) target_semaphore(%run_scoped3A : memref<!tpu.dma_semaphore, #tpu.memory_space<semaphore_mem>>)
      %dma_wait3A_53 = arith.constant 0 : i32
      %dma_wait3A_54 = arith.constant 0 : i32
      %dma_wait3A_55 = tpu.memref_slice %arg3[%add3A, %dma_wait3A_53, %dma_wait3A_54] : memref<32x80x128xi32, #tpu.memory_space<hbm>> -> memref<1x40x128xi32, #tpu.memory_space<hbm>>
      %dma_wait3A_56 = tpu.memref_squeeze %dma_wait3A_55 : memref<1x40x128xi32, #tpu.memory_space<hbm>> -> memref<40x128xi32, #tpu.memory_space<hbm>>
      %dma_wait3A_57 = arith.constant 0 : i32
      %dma_wait3A_58 = arith.constant 0 : i32
      %dma_wait3A_59 = tpu.memref_slice %arg3[%add3A, %dma_wait3A_57, %dma_wait3A_58] : memref<32x80x128xi32, #tpu.memory_space<hbm>> -> memref<1x40x128xi32, #tpu.memory_space<hbm>>
      %dma_wait3A_60 = tpu.memref_squeeze %dma_wait3A_59 : memref<1x40x128xi32, #tpu.memory_space<hbm>> -> memref<40x128xi32, #tpu.memory_space<hbm>>
      tpu.wait_dma2 semaphore(%run_scoped3A : memref<!tpu.dma_semaphore, #tpu.memory_space<semaphore_mem>>) src(%dma_wait3A_60 : memref<40x128xi32, #tpu.memory_space<hbm>>) dst(%arg7 : memref<40x128xi32, #tpu.memory_space<vmem>>)
      tpu.yield
    }) : () -> ()
    "tpu.region"() ({
      %run_scoped3A = tpu.sem_alloc : memref<!tpu.dma_semaphore, #tpu.memory_space<semaphore_mem>>
      %dma_start3A_45 = arith.constant 0 : i32
      %dma_start3A_46 = arith.constant 0 : i32
      %dma_start3A_47 = tpu.memref_slice %arg4[%add3A, %dma_start3A_45, %dma_start3A_46] : memref<32x80x128xi32, #tpu.memory_space<hbm>> -> memref<1x40x128xi32, #tpu.memory_space<hbm>>
      %dma_start3A_48 = tpu.memref_squeeze %dma_start3A_47 : memref<1x40x128xi32, #tpu.memory_space<hbm>> -> memref<40x128xi32, #tpu.memory_space<hbm>>
      %dma_start3A_49 = arith.constant 0 : i32
      %dma_start3A_50 = arith.constant 0 : i32
      %dma_start3A_51 = tpu.memref_slice %arg4[%add3A, %dma_start3A_49, %dma_start3A_50] : memref<32x80x128xi32, #tpu.memory_space<hbm>> -> memref<1x40x128xi32, #tpu.memory_space<hbm>>
      %dma_start3A_52 = tpu.memref_squeeze %dma_start3A_51 : memref<1x40x128xi32, #tpu.memory_space<hbm>> -> memref<40x128xi32, #tpu.memory_space<hbm>>
      tpu.enqueue_dma source(%dma_start3A_52 : memref<40x128xi32, #tpu.memory_space<hbm>>) target(%arg8 : memref<40x128xi32, #tpu.memory_space<vmem>>) target_semaphore(%run_scoped3A : memref<!tpu.dma_semaphore, #tpu.memory_space<semaphore_mem>>)
      %dma_wait3A_53 = arith.constant 0 : i32
      %dma_wait3A_54 = arith.constant 0 : i32
      %dma_wait3A_55 = tpu.memref_slice %arg4[%add3A, %dma_wait3A_53, %dma_wait3A_54] : memref<32x80x128xi32, #tpu.memory_space<hbm>> -> memref<1x40x128xi32, #tpu.memory_space<hbm>>
      %dma_wait3A_56 = tpu.memref_squeeze %dma_wait3A_55 : memref<1x40x128xi32, #tpu.memory_space<hbm>> -> memref<40x128xi32, #tpu.memory_space<hbm>>
      %dma_wait3A_57 = arith.constant 0 : i32
      %dma_wait3A_58 = arith.constant 0 : i32
      %dma_wait3A_59 = tpu.memref_slice %arg4[%add3A, %dma_wait3A_57, %dma_wait3A_58] : memref<32x80x128xi32, #tpu.memory_space<hbm>> -> memref<1x40x128xi32, #tpu.memory_space<hbm>>
      %dma_wait3A_60 = tpu.memref_squeeze %dma_wait3A_59 : memref<1x40x128xi32, #tpu.memory_space<hbm>> -> memref<40x128xi32, #tpu.memory_space<hbm>>
      tpu.wait_dma2 semaphore(%run_scoped3A : memref<!tpu.dma_semaphore, #tpu.memory_space<semaphore_mem>>) src(%dma_wait3A_60 : memref<40x128xi32, #tpu.memory_space<hbm>>) dst(%arg8 : memref<40x128xi32, #tpu.memory_space<vmem>>)
      tpu.yield
    }) : () -> ()
    %dma_start3A = arith.constant 0 : i32
    %dma_start3A_3 = arith.constant 0 : i32
    %dma_start3A_4 = tpu.memref_slice %arg7[%dma_start3A, %dma_start3A_3] : memref<40x128xi32, #tpu.memory_space<vmem>> -> memref<1x128xi32, #tpu.memory_space<vmem>>
    %dma_start3A_5 = tpu.memref_squeeze %dma_start3A_4 : memref<1x128xi32, #tpu.memory_space<vmem>> -> memref<128xi32, #tpu.memory_space<vmem>>
    %dma_start3A_6 = arith.constant 0 : i32
    %dma_start3A_7 = arith.constant 0 : i32
    %dma_start3A_8 = tpu.memref_slice %arg2[%dma_start3A_6, %dma_start3A_7] : memref<10000x128xf32, #tpu.memory_space<hbm>> -> memref<10000x128xf32, #tpu.memory_space<hbm>>
    tpu.enqueue_indirect_dma source(%dma_start3A_8 : memref<10000x128xf32, #tpu.memory_space<hbm>>) target(%arg9 : memref<128x128xf32, #tpu.memory_space<vmem>>) offsets(%dma_start3A_5 : memref<128xi32, #tpu.memory_space<vmem>>) semaphore(%arg12 : memref<!tpu.dma_semaphore, #tpu.memory_space<semaphore_mem>>)
    %scan3A = arith.constant 0 : i32
    %scan3A_9 = arith.constant 0 : i32
    %scan3A_10 = arith.constant 20 : i32
    %scan3A_11 = arith.addi %scan3A_9, %scan3A_10 : i32
    %scan3A_12 = arith.constant 1 : i32
    scf.for %scan3A_45 = %scan3A_9 to %scan3A_11 step %scan3A_12  : i32 {
      %mul3A_46 = arith.constant 2 : i32
      %mul3A_47 = arith.muli %scan3A_45, %mul3A_46 : i32
      %add3A_48 = arith.constant 0 : i32
      %add3A_49 = arith.addi %mul3A_47, %add3A_48 : i32
      %add3A_50 = arith.constant 1 : i32
      %add3A_51 = arith.addi %add3A_49, %add3A_50 : i32
      %rem3A = arith.constant 40 : i32
      %rem3A_52 = arith.remsi %add3A_51, %rem3A : i32
      %dma_start3A_53 = arith.constant 0 : i32
      %dma_start3A_54 = tpu.memref_slice %arg7[%rem3A_52, %dma_start3A_53] : memref<40x128xi32, #tpu.memory_space<vmem>> -> memref<1x128xi32, #tpu.memory_space<vmem>>
      %dma_start3A_55 = tpu.memref_squeeze %dma_start3A_54 : memref<1x128xi32, #tpu.memory_space<vmem>> -> memref<128xi32, #tpu.memory_space<vmem>>
      %dma_start3A_56 = arith.constant 0 : i32
      %dma_start3A_57 = arith.constant 0 : i32
      %dma_start3A_58 = tpu.memref_slice %arg2[%dma_start3A_56, %dma_start3A_57] : memref<10000x128xf32, #tpu.memory_space<hbm>> -> memref<10000x128xf32, #tpu.memory_space<hbm>>
      tpu.enqueue_indirect_dma source(%dma_start3A_58 : memref<10000x128xf32, #tpu.memory_space<hbm>>) target(%arg10 : memref<128x128xf32, #tpu.memory_space<vmem>>) offsets(%dma_start3A_55 : memref<128xi32, #tpu.memory_space<vmem>>) semaphore(%arg13 : memref<!tpu.dma_semaphore, #tpu.memory_space<semaphore_mem>>)
      %dma_wait3A_59 = arith.constant 0 : i32
      %dma_wait3A_60 = tpu.memref_slice %arg7[%add3A_49, %dma_wait3A_59] : memref<40x128xi32, #tpu.memory_space<vmem>> -> memref<1x128xi32, #tpu.memory_space<vmem>>
      %dma_wait3A_61 = tpu.memref_squeeze %dma_wait3A_60 : memref<1x128xi32, #tpu.memory_space<vmem>> -> memref<128xi32, #tpu.memory_space<vmem>>
      %dma_wait3A_62 = arith.constant 0 : i32
      %dma_wait3A_63 = arith.constant 0 : i32
      %dma_wait3A_64 = tpu.memref_slice %arg2[%dma_wait3A_62, %dma_wait3A_63] : memref<10000x128xf32, #tpu.memory_space<hbm>> -> memref<10000x128xf32, #tpu.memory_space<hbm>>
      tpu.wait_indirect_dma semaphore(%arg12 : memref<!tpu.dma_semaphore, #tpu.memory_space<semaphore_mem>>) src(%dma_wait3A_64 : memref<10000x128xf32, #tpu.memory_space<hbm>>) dst(%arg9 : memref<128x128xf32, #tpu.memory_space<vmem>>)
      "tpu.region"() ({
        %run_scoped3A = tpu.sem_alloc : memref<!tpu.dma_semaphore, #tpu.memory_space<semaphore_mem>>
        %dma_start3A_85 = arith.constant 0 : i32
        %dma_start3A_86 = tpu.memref_slice %arg8[%add3A_49, %dma_start3A_85] : memref<40x128xi32, #tpu.memory_space<vmem>> -> memref<1x128xi32, #tpu.memory_space<vmem>>
        %dma_start3A_87 = tpu.memref_squeeze %dma_start3A_86 : memref<1x128xi32, #tpu.memory_space<vmem>> -> memref<128xi32, #tpu.memory_space<vmem>>
        %dma_start3A_88 = arith.constant 0 : i32
        %dma_start3A_89 = arith.constant 0 : i32
        %dma_start3A_90 = tpu.memref_slice %arg11[%dma_start3A_88, %dma_start3A_89] : memref<10112x128xf32, #tpu.memory_space<vmem_shared>> -> memref<10112x128xf32, #tpu.memory_space<vmem_shared>>
        tpu.enqueue_indirect_dma source(%arg9 : memref<128x128xf32, #tpu.memory_space<vmem>>) target(%dma_start3A_90 : memref<10112x128xf32, #tpu.memory_space<vmem_shared>>) offsets(%dma_start3A_87 : memref<128xi32, #tpu.memory_space<vmem>>) semaphore(%run_scoped3A : memref<!tpu.dma_semaphore, #tpu.memory_space<semaphore_mem>>) {add = true}
        %dma_wait3A_91 = arith.constant 0 : i32
        %dma_wait3A_92 = tpu.memref_slice %arg8[%add3A_49, %dma_wait3A_91] : memref<40x128xi32, #tpu.memory_space<vmem>> -> memref<1x128xi32, #tpu.memory_space<vmem>>
        %dma_wait3A_93 = tpu.memref_squeeze %dma_wait3A_92 : memref<1x128xi32, #tpu.memory_space<vmem>> -> memref<128xi32, #tpu.memory_space<vmem>>
        %dma_wait3A_94 = arith.constant 0 : i32
        %dma_wait3A_95 = arith.constant 0 : i32
        %dma_wait3A_96 = tpu.memref_slice %arg11[%dma_wait3A_94, %dma_wait3A_95] : memref<10112x128xf32, #tpu.memory_space<vmem_shared>> -> memref<10112x128xf32, #tpu.memory_space<vmem_shared>>
        tpu.wait_indirect_dma semaphore(%run_scoped3A : memref<!tpu.dma_semaphore, #tpu.memory_space<semaphore_mem>>) src(%arg9 : memref<128x128xf32, #tpu.memory_space<vmem>>) dst(%dma_wait3A_96 : memref<10112x128xf32, #tpu.memory_space<vmem_shared>>)
        tpu.yield
      }) : () -> ()
      %mul3A_65 = arith.constant 2 : i32
      %mul3A_66 = arith.muli %scan3A_45, %mul3A_65 : i32
      %add3A_67 = arith.constant 1 : i32
      %add3A_68 = arith.addi %mul3A_66, %add3A_67 : i32
      %add3A_69 = arith.constant 1 : i32
      %add3A_70 = arith.addi %add3A_68, %add3A_69 : i32
      %rem3A_71 = arith.constant 40 : i32
      %rem3A_72 = arith.remsi %add3A_70, %rem3A_71 : i32
      %dma_start3A_73 = arith.constant 0 : i32
      %dma_start3A_74 = tpu.memref_slice %arg7[%rem3A_72, %dma_start3A_73] : memref<40x128xi32, #tpu.memory_space<vmem>> -> memref<1x128xi32, #tpu.memory_space<vmem>>
      %dma_start3A_75 = tpu.memref_squeeze %dma_start3A_74 : memref<1x128xi32, #tpu.memory_space<vmem>> -> memref<128xi32, #tpu.memory_space<vmem>>
      %dma_start3A_76 = arith.constant 0 : i32
      %dma_start3A_77 = arith.constant 0 : i32
      %dma_start3A_78 = tpu.memref_slice %arg2[%dma_start3A_76, %dma_start3A_77] : memref<10000x128xf32, #tpu.memory_space<hbm>> -> memref<10000x128xf32, #tpu.memory_space<hbm>>
      tpu.enqueue_indirect_dma source(%dma_start3A_78 : memref<10000x128xf32, #tpu.memory_space<hbm>>) target(%arg9 : memref<128x128xf32, #tpu.memory_space<vmem>>) offsets(%dma_start3A_75 : memref<128xi32, #tpu.memory_space<vmem>>) semaphore(%arg12 : memref<!tpu.dma_semaphore, #tpu.memory_space<semaphore_mem>>)
      %dma_wait3A_79 = arith.constant 0 : i32
      %dma_wait3A_80 = tpu.memref_slice %arg7[%add3A_68, %dma_wait3A_79] : memref<40x128xi32, #tpu.memory_space<vmem>> -> memref<1x128xi32, #tpu.memory_space<vmem>>
      %dma_wait3A_81 = tpu.memref_squeeze %dma_wait3A_80 : memref<1x128xi32, #tpu.memory_space<vmem>> -> memref<128xi32, #tpu.memory_space<vmem>>
      %dma_wait3A_82 = arith.constant 0 : i32
      %dma_wait3A_83 = arith.constant 0 : i32
      %dma_wait3A_84 = tpu.memref_slice %arg2[%dma_wait3A_82, %dma_wait3A_83] : memref<10000x128xf32, #tpu.memory_space<hbm>> -> memref<10000x128xf32, #tpu.memory_space<hbm>>
      tpu.wait_indirect_dma semaphore(%arg13 : memref<!tpu.dma_semaphore, #tpu.memory_space<semaphore_mem>>) src(%dma_wait3A_84 : memref<10000x128xf32, #tpu.memory_space<hbm>>) dst(%arg10 : memref<128x128xf32, #tpu.memory_space<vmem>>)
      "tpu.region"() ({
        %run_scoped3A = tpu.sem_alloc : memref<!tpu.dma_semaphore, #tpu.memory_space<semaphore_mem>>
        %dma_start3A_85 = arith.constant 0 : i32
        %dma_start3A_86 = tpu.memref_slice %arg8[%add3A_68, %dma_start3A_85] : memref<40x128xi32, #tpu.memory_space<vmem>> -> memref<1x128xi32, #tpu.memory_space<vmem>>
        %dma_start3A_87 = tpu.memref_squeeze %dma_start3A_86 : memref<1x128xi32, #tpu.memory_space<vmem>> -> memref<128xi32, #tpu.memory_space<vmem>>
        %dma_start3A_88 = arith.constant 0 : i32
        %dma_start3A_89 = arith.constant 0 : i32
        %dma_start3A_90 = tpu.memref_slice %arg11[%dma_start3A_88, %dma_start3A_89] : memref<10112x128xf32, #tpu.memory_space<vmem_shared>> -> memref<10112x128xf32, #tpu.memory_space<vmem_shared>>
        tpu.enqueue_indirect_dma source(%arg10 : memref<128x128xf32, #tpu.memory_space<vmem>>) target(%dma_start3A_90 : memref<10112x128xf32, #tpu.memory_space<vmem_shared>>) offsets(%dma_start3A_87 : memref<128xi32, #tpu.memory_space<vmem>>) semaphore(%run_scoped3A : memref<!tpu.dma_semaphore, #tpu.memory_space<semaphore_mem>>) {add = true}
        %dma_wait3A_91 = arith.constant 0 : i32
        %dma_wait3A_92 = tpu.memref_slice %arg8[%add3A_68, %dma_wait3A_91] : memref<40x128xi32, #tpu.memory_space<vmem>> -> memref<1x128xi32, #tpu.memory_space<vmem>>
        %dma_wait3A_93 = tpu.memref_squeeze %dma_wait3A_92 : memref<1x128xi32, #tpu.memory_space<vmem>> -> memref<128xi32, #tpu.memory_space<vmem>>
        %dma_wait3A_94 = arith.constant 0 : i32
        %dma_wait3A_95 = arith.constant 0 : i32
        %dma_wait3A_96 = tpu.memref_slice %arg11[%dma_wait3A_94, %dma_wait3A_95] : memref<10112x128xf32, #tpu.memory_space<vmem_shared>> -> memref<10112x128xf32, #tpu.memory_space<vmem_shared>>
        tpu.wait_indirect_dma semaphore(%run_scoped3A : memref<!tpu.dma_semaphore, #tpu.memory_space<semaphore_mem>>) src(%arg10 : memref<128x128xf32, #tpu.memory_space<vmem>>) dst(%dma_wait3A_96 : memref<10112x128xf32, #tpu.memory_space<vmem_shared>>)
        tpu.yield
      }) : () -> ()
    }
    %scan3A_13 = arith.constant 20 : i32
    %dma_wait3A = arith.constant 0 : i32
    %dma_wait3A_14 = arith.constant 0 : i32
    %dma_wait3A_15 = tpu.memref_slice %arg7[%dma_wait3A, %dma_wait3A_14] : memref<40x128xi32, #tpu.memory_space<vmem>> -> memref<1x128xi32, #tpu.memory_space<vmem>>
    %dma_wait3A_16 = tpu.memref_squeeze %dma_wait3A_15 : memref<1x128xi32, #tpu.memory_space<vmem>> -> memref<128xi32, #tpu.memory_space<vmem>>
    %dma_wait3A_17 = arith.constant 0 : i32
    %dma_wait3A_18 = arith.constant 0 : i32
    %dma_wait3A_19 = tpu.memref_slice %arg2[%dma_wait3A_17, %dma_wait3A_18] : memref<10000x128xf32, #tpu.memory_space<hbm>> -> memref<10000x128xf32, #tpu.memory_space<hbm>>
    tpu.wait_indirect_dma semaphore(%arg12 : memref<!tpu.dma_semaphore, #tpu.memory_space<semaphore_mem>>) src(%dma_wait3A_19 : memref<10000x128xf32, #tpu.memory_space<hbm>>) dst(%arg9 : memref<128x128xf32, #tpu.memory_space<vmem>>)
    "tpu.region"() ({
      %run_scoped3A = tpu.sem_alloc : memref<!tpu.dma_semaphore, #tpu.memory_space<semaphore_mem>>
      %dma_start3A_45 = arith.constant 40 : i32
      %dma_start3A_46 = arith.constant 0 : i32
      %dma_start3A_47 = tpu.memref_slice %arg3[%add3A, %dma_start3A_45, %dma_start3A_46] : memref<32x80x128xi32, #tpu.memory_space<hbm>> -> memref<1x40x128xi32, #tpu.memory_space<hbm>>
      %dma_start3A_48 = tpu.memref_squeeze %dma_start3A_47 : memref<1x40x128xi32, #tpu.memory_space<hbm>> -> memref<40x128xi32, #tpu.memory_space<hbm>>
      %dma_start3A_49 = arith.constant 40 : i32
      %dma_start3A_50 = arith.constant 0 : i32
      %dma_start3A_51 = tpu.memref_slice %arg3[%add3A, %dma_start3A_49, %dma_start3A_50] : memref<32x80x128xi32, #tpu.memory_space<hbm>> -> memref<1x40x128xi32, #tpu.memory_space<hbm>>
      %dma_start3A_52 = tpu.memref_squeeze %dma_start3A_51 : memref<1x40x128xi32, #tpu.memory_space<hbm>> -> memref<40x128xi32, #tpu.memory_space<hbm>>
      tpu.enqueue_dma source(%dma_start3A_52 : memref<40x128xi32, #tpu.memory_space<hbm>>) target(%arg7 : memref<40x128xi32, #tpu.memory_space<vmem>>) target_semaphore(%run_scoped3A : memref<!tpu.dma_semaphore, #tpu.memory_space<semaphore_mem>>)
      %dma_wait3A_53 = arith.constant 40 : i32
      %dma_wait3A_54 = arith.constant 0 : i32
      %dma_wait3A_55 = tpu.memref_slice %arg3[%add3A, %dma_wait3A_53, %dma_wait3A_54] : memref<32x80x128xi32, #tpu.memory_space<hbm>> -> memref<1x40x128xi32, #tpu.memory_space<hbm>>
      %dma_wait3A_56 = tpu.memref_squeeze %dma_wait3A_55 : memref<1x40x128xi32, #tpu.memory_space<hbm>> -> memref<40x128xi32, #tpu.memory_space<hbm>>
      %dma_wait3A_57 = arith.constant 40 : i32
      %dma_wait3A_58 = arith.constant 0 : i32
      %dma_wait3A_59 = tpu.memref_slice %arg3[%add3A, %dma_wait3A_57, %dma_wait3A_58] : memref<32x80x128xi32, #tpu.memory_space<hbm>> -> memref<1x40x128xi32, #tpu.memory_space<hbm>>
      %dma_wait3A_60 = tpu.memref_squeeze %dma_wait3A_59 : memref<1x40x128xi32, #tpu.memory_space<hbm>> -> memref<40x128xi32, #tpu.memory_space<hbm>>
      tpu.wait_dma2 semaphore(%run_scoped3A : memref<!tpu.dma_semaphore, #tpu.memory_space<semaphore_mem>>) src(%dma_wait3A_60 : memref<40x128xi32, #tpu.memory_space<hbm>>) dst(%arg7 : memref<40x128xi32, #tpu.memory_space<vmem>>)
      tpu.yield
    }) : () -> ()
    "tpu.region"() ({
      %run_scoped3A = tpu.sem_alloc : memref<!tpu.dma_semaphore, #tpu.memory_space<semaphore_mem>>
      %dma_start3A_45 = arith.constant 40 : i32
      %dma_start3A_46 = arith.constant 0 : i32
      %dma_start3A_47 = tpu.memref_slice %arg4[%add3A, %dma_start3A_45, %dma_start3A_46] : memref<32x80x128xi32, #tpu.memory_space<hbm>> -> memref<1x40x128xi32, #tpu.memory_space<hbm>>
      %dma_start3A_48 = tpu.memref_squeeze %dma_start3A_47 : memref<1x40x128xi32, #tpu.memory_space<hbm>> -> memref<40x128xi32, #tpu.memory_space<hbm>>
      %dma_start3A_49 = arith.constant 40 : i32
      %dma_start3A_50 = arith.constant 0 : i32
      %dma_start3A_51 = tpu.memref_slice %arg4[%add3A, %dma_start3A_49, %dma_start3A_50] : memref<32x80x128xi32, #tpu.memory_space<hbm>> -> memref<1x40x128xi32, #tpu.memory_space<hbm>>
      %dma_start3A_52 = tpu.memref_squeeze %dma_start3A_51 : memref<1x40x128xi32, #tpu.memory_space<hbm>> -> memref<40x128xi32, #tpu.memory_space<hbm>>
      tpu.enqueue_dma source(%dma_start3A_52 : memref<40x128xi32, #tpu.memory_space<hbm>>) target(%arg8 : memref<40x128xi32, #tpu.memory_space<vmem>>) target_semaphore(%run_scoped3A : memref<!tpu.dma_semaphore, #tpu.memory_space<semaphore_mem>>)
      %dma_wait3A_53 = arith.constant 40 : i32
      %dma_wait3A_54 = arith.constant 0 : i32
      %dma_wait3A_55 = tpu.memref_slice %arg4[%add3A, %dma_wait3A_53, %dma_wait3A_54] : memref<32x80x128xi32, #tpu.memory_space<hbm>> -> memref<1x40x128xi32, #tpu.memory_space<hbm>>
      %dma_wait3A_56 = tpu.memref_squeeze %dma_wait3A_55 : memref<1x40x128xi32, #tpu.memory_space<hbm>> -> memref<40x128xi32, #tpu.memory_space<hbm>>
      %dma_wait3A_57 = arith.constant 40 : i32
      %dma_wait3A_58 = arith.constant 0 : i32
      %dma_wait3A_59 = tpu.memref_slice %arg4[%add3A, %dma_wait3A_57, %dma_wait3A_58] : memref<32x80x128xi32, #tpu.memory_space<hbm>> -> memref<1x40x128xi32, #tpu.memory_space<hbm>>
      %dma_wait3A_60 = tpu.memref_squeeze %dma_wait3A_59 : memref<1x40x128xi32, #tpu.memory_space<hbm>> -> memref<40x128xi32, #tpu.memory_space<hbm>>
      tpu.wait_dma2 semaphore(%run_scoped3A : memref<!tpu.dma_semaphore, #tpu.memory_space<semaphore_mem>>) src(%dma_wait3A_60 : memref<40x128xi32, #tpu.memory_space<hbm>>) dst(%arg8 : memref<40x128xi32, #tpu.memory_space<vmem>>)
      tpu.yield
    }) : () -> ()
    %dma_start3A_20 = arith.constant 0 : i32
    %dma_start3A_21 = arith.constant 0 : i32
    %dma_start3A_22 = tpu.memref_slice %arg7[%dma_start3A_20, %dma_start3A_21] : memref<40x128xi32, #tpu.memory_space<vmem>> -> memref<1x128xi32, #tpu.memory_space<vmem>>
    %dma_start3A_23 = tpu.memref_squeeze %dma_start3A_22 : memref<1x128xi32, #tpu.memory_space<vmem>> -> memref<128xi32, #tpu.memory_space<vmem>>
    %dma_start3A_24 = arith.constant 0 : i32
    %dma_start3A_25 = arith.constant 0 : i32
    %dma_start3A_26 = tpu.memref_slice %arg2[%dma_start3A_24, %dma_start3A_25] : memref<10000x128xf32, #tpu.memory_space<hbm>> -> memref<10000x128xf32, #tpu.memory_space<hbm>>
    tpu.enqueue_indirect_dma source(%dma_start3A_26 : memref<10000x128xf32, #tpu.memory_space<hbm>>) target(%arg9 : memref<128x128xf32, #tpu.memory_space<vmem>>) offsets(%dma_start3A_23 : memref<128xi32, #tpu.memory_space<vmem>>) semaphore(%arg12 : memref<!tpu.dma_semaphore, #tpu.memory_space<semaphore_mem>>)
    %scan3A_27 = arith.constant 0 : i32
    %scan3A_28 = arith.constant 0 : i32
    %scan3A_29 = arith.constant 20 : i32
    %scan3A_30 = arith.addi %scan3A_28, %scan3A_29 : i32
    %scan3A_31 = arith.constant 1 : i32
    scf.for %scan3A_45 = %scan3A_28 to %scan3A_30 step %scan3A_31  : i32 {
      %mul3A_46 = arith.constant 2 : i32
      %mul3A_47 = arith.muli %scan3A_45, %mul3A_46 : i32
      %add3A_48 = arith.constant 0 : i32
      %add3A_49 = arith.addi %mul3A_47, %add3A_48 : i32
      %add3A_50 = arith.constant 1 : i32
      %add3A_51 = arith.addi %add3A_49, %add3A_50 : i32
      %rem3A = arith.constant 40 : i32
      %rem3A_52 = arith.remsi %add3A_51, %rem3A : i32
      %dma_start3A_53 = arith.constant 0 : i32
      %dma_start3A_54 = tpu.memref_slice %arg7[%rem3A_52, %dma_start3A_53] : memref<40x128xi32, #tpu.memory_space<vmem>> -> memref<1x128xi32, #tpu.memory_space<vmem>>
      %dma_start3A_55 = tpu.memref_squeeze %dma_start3A_54 : memref<1x128xi32, #tpu.memory_space<vmem>> -> memref<128xi32, #tpu.memory_space<vmem>>
      %dma_start3A_56 = arith.constant 0 : i32
      %dma_start3A_57 = arith.constant 0 : i32
      %dma_start3A_58 = tpu.memref_slice %arg2[%dma_start3A_56, %dma_start3A_57] : memref<10000x128xf32, #tpu.memory_space<hbm>> -> memref<10000x128xf32, #tpu.memory_space<hbm>>
      tpu.enqueue_indirect_dma source(%dma_start3A_58 : memref<10000x128xf32, #tpu.memory_space<hbm>>) target(%arg10 : memref<128x128xf32, #tpu.memory_space<vmem>>) offsets(%dma_start3A_55 : memref<128xi32, #tpu.memory_space<vmem>>) semaphore(%arg13 : memref<!tpu.dma_semaphore, #tpu.memory_space<semaphore_mem>>)
      %dma_wait3A_59 = arith.constant 0 : i32
      %dma_wait3A_60 = tpu.memref_slice %arg7[%add3A_49, %dma_wait3A_59] : memref<40x128xi32, #tpu.memory_space<vmem>> -> memref<1x128xi32, #tpu.memory_space<vmem>>
      %dma_wait3A_61 = tpu.memref_squeeze %dma_wait3A_60 : memref<1x128xi32, #tpu.memory_space<vmem>> -> memref<128xi32, #tpu.memory_space<vmem>>
      %dma_wait3A_62 = arith.constant 0 : i32
      %dma_wait3A_63 = arith.constant 0 : i32
      %dma_wait3A_64 = tpu.memref_slice %arg2[%dma_wait3A_62, %dma_wait3A_63] : memref<10000x128xf32, #tpu.memory_space<hbm>> -> memref<10000x128xf32, #tpu.memory_space<hbm>>
      tpu.wait_indirect_dma semaphore(%arg12 : memref<!tpu.dma_semaphore, #tpu.memory_space<semaphore_mem>>) src(%dma_wait3A_64 : memref<10000x128xf32, #tpu.memory_space<hbm>>) dst(%arg9 : memref<128x128xf32, #tpu.memory_space<vmem>>)
      "tpu.region"() ({
        %run_scoped3A = tpu.sem_alloc : memref<!tpu.dma_semaphore, #tpu.memory_space<semaphore_mem>>
        %dma_start3A_85 = arith.constant 0 : i32
        %dma_start3A_86 = tpu.memref_slice %arg8[%add3A_49, %dma_start3A_85] : memref<40x128xi32, #tpu.memory_space<vmem>> -> memref<1x128xi32, #tpu.memory_space<vmem>>
        %dma_start3A_87 = tpu.memref_squeeze %dma_start3A_86 : memref<1x128xi32, #tpu.memory_space<vmem>> -> memref<128xi32, #tpu.memory_space<vmem>>
        %dma_start3A_88 = arith.constant 0 : i32
        %dma_start3A_89 = arith.constant 0 : i32
        %dma_start3A_90 = tpu.memref_slice %arg11[%dma_start3A_88, %dma_start3A_89] : memref<10112x128xf32, #tpu.memory_space<vmem_shared>> -> memref<10112x128xf32, #tpu.memory_space<vmem_shared>>
        tpu.enqueue_indirect_dma source(%arg9 : memref<128x128xf32, #tpu.memory_space<vmem>>) target(%dma_start3A_90 : memref<10112x128xf32, #tpu.memory_space<vmem_shared>>) offsets(%dma_start3A_87 : memref<128xi32, #tpu.memory_space<vmem>>) semaphore(%run_scoped3A : memref<!tpu.dma_semaphore, #tpu.memory_space<semaphore_mem>>) {add = true}
        %dma_wait3A_91 = arith.constant 0 : i32
        %dma_wait3A_92 = tpu.memref_slice %arg8[%add3A_49, %dma_wait3A_91] : memref<40x128xi32, #tpu.memory_space<vmem>> -> memref<1x128xi32, #tpu.memory_space<vmem>>
        %dma_wait3A_93 = tpu.memref_squeeze %dma_wait3A_92 : memref<1x128xi32, #tpu.memory_space<vmem>> -> memref<128xi32, #tpu.memory_space<vmem>>
        %dma_wait3A_94 = arith.constant 0 : i32
        %dma_wait3A_95 = arith.constant 0 : i32
        %dma_wait3A_96 = tpu.memref_slice %arg11[%dma_wait3A_94, %dma_wait3A_95] : memref<10112x128xf32, #tpu.memory_space<vmem_shared>> -> memref<10112x128xf32, #tpu.memory_space<vmem_shared>>
        tpu.wait_indirect_dma semaphore(%run_scoped3A : memref<!tpu.dma_semaphore, #tpu.memory_space<semaphore_mem>>) src(%arg9 : memref<128x128xf32, #tpu.memory_space<vmem>>) dst(%dma_wait3A_96 : memref<10112x128xf32, #tpu.memory_space<vmem_shared>>)
        tpu.yield
      }) : () -> ()
      %mul3A_65 = arith.constant 2 : i32
      %mul3A_66 = arith.muli %scan3A_45, %mul3A_65 : i32
      %add3A_67 = arith.constant 1 : i32
      %add3A_68 = arith.addi %mul3A_66, %add3A_67 : i32
      %add3A_69 = arith.constant 1 : i32
      %add3A_70 = arith.addi %add3A_68, %add3A_69 : i32
      %rem3A_71 = arith.constant 40 : i32
      %rem3A_72 = arith.remsi %add3A_70, %rem3A_71 : i32
      %dma_start3A_73 = arith.constant 0 : i32
      %dma_start3A_74 = tpu.memref_slice %arg7[%rem3A_72, %dma_start3A_73] : memref<40x128xi32, #tpu.memory_space<vmem>> -> memref<1x128xi32, #tpu.memory_space<vmem>>
      %dma_start3A_75 = tpu.memref_squeeze %dma_start3A_74 : memref<1x128xi32, #tpu.memory_space<vmem>> -> memref<128xi32, #tpu.memory_space<vmem>>
      %dma_start3A_76 = arith.constant 0 : i32
      %dma_start3A_77 = arith.constant 0 : i32
      %dma_start3A_78 = tpu.memref_slice %arg2[%dma_start3A_76, %dma_start3A_77] : memref<10000x128xf32, #tpu.memory_space<hbm>> -> memref<10000x128xf32, #tpu.memory_space<hbm>>
      tpu.enqueue_indirect_dma source(%dma_start3A_78 : memref<10000x128xf32, #tpu.memory_space<hbm>>) target(%arg9 : memref<128x128xf32, #tpu.memory_space<vmem>>) offsets(%dma_start3A_75 : memref<128xi32, #tpu.memory_space<vmem>>) semaphore(%arg12 : memref<!tpu.dma_semaphore, #tpu.memory_space<semaphore_mem>>)
      %dma_wait3A_79 = arith.constant 0 : i32
      %dma_wait3A_80 = tpu.memref_slice %arg7[%add3A_68, %dma_wait3A_79] : memref<40x128xi32, #tpu.memory_space<vmem>> -> memref<1x128xi32, #tpu.memory_space<vmem>>
      %dma_wait3A_81 = tpu.memref_squeeze %dma_wait3A_80 : memref<1x128xi32, #tpu.memory_space<vmem>> -> memref<128xi32, #tpu.memory_space<vmem>>
      %dma_wait3A_82 = arith.constant 0 : i32
      %dma_wait3A_83 = arith.constant 0 : i32
      %dma_wait3A_84 = tpu.memref_slice %arg2[%dma_wait3A_82, %dma_wait3A_83] : memref<10000x128xf32, #tpu.memory_space<hbm>> -> memref<10000x128xf32, #tpu.memory_space<hbm>>
      tpu.wait_indirect_dma semaphore(%arg13 : memref<!tpu.dma_semaphore, #tpu.memory_space<semaphore_mem>>) src(%dma_wait3A_84 : memref<10000x128xf32, #tpu.memory_space<hbm>>) dst(%arg10 : memref<128x128xf32, #tpu.memory_space<vmem>>)
      "tpu.region"() ({
        %run_scoped3A = tpu.sem_alloc : memref<!tpu.dma_semaphore, #tpu.memory_space<semaphore_mem>>
        %dma_start3A_85 = arith.constant 0 : i32
        %dma_start3A_86 = tpu.memref_slice %arg8[%add3A_68, %dma_start3A_85] : memref<40x128xi32, #tpu.memory_space<vmem>> -> memref<1x128xi32, #tpu.memory_space<vmem>>
        %dma_start3A_87 = tpu.memref_squeeze %dma_start3A_86 : memref<1x128xi32, #tpu.memory_space<vmem>> -> memref<128xi32, #tpu.memory_space<vmem>>
        %dma_start3A_88 = arith.constant 0 : i32
        %dma_start3A_89 = arith.constant 0 : i32
        %dma_start3A_90 = tpu.memref_slice %arg11[%dma_start3A_88, %dma_start3A_89] : memref<10112x128xf32, #tpu.memory_space<vmem_shared>> -> memref<10112x128xf32, #tpu.memory_space<vmem_shared>>
        tpu.enqueue_indirect_dma source(%arg10 : memref<128x128xf32, #tpu.memory_space<vmem>>) target(%dma_start3A_90 : memref<10112x128xf32, #tpu.memory_space<vmem_shared>>) offsets(%dma_start3A_87 : memref<128xi32, #tpu.memory_space<vmem>>) semaphore(%run_scoped3A : memref<!tpu.dma_semaphore, #tpu.memory_space<semaphore_mem>>) {add = true}
        %dma_wait3A_91 = arith.constant 0 : i32
        %dma_wait3A_92 = tpu.memref_slice %arg8[%add3A_68, %dma_wait3A_91] : memref<40x128xi32, #tpu.memory_space<vmem>> -> memref<1x128xi32, #tpu.memory_space<vmem>>
        %dma_wait3A_93 = tpu.memref_squeeze %dma_wait3A_92 : memref<1x128xi32, #tpu.memory_space<vmem>> -> memref<128xi32, #tpu.memory_space<vmem>>
        %dma_wait3A_94 = arith.constant 0 : i32
        %dma_wait3A_95 = arith.constant 0 : i32
        %dma_wait3A_96 = tpu.memref_slice %arg11[%dma_wait3A_94, %dma_wait3A_95] : memref<10112x128xf32, #tpu.memory_space<vmem_shared>> -> memref<10112x128xf32, #tpu.memory_space<vmem_shared>>
        tpu.wait_indirect_dma semaphore(%run_scoped3A : memref<!tpu.dma_semaphore, #tpu.memory_space<semaphore_mem>>) src(%arg10 : memref<128x128xf32, #tpu.memory_space<vmem>>) dst(%dma_wait3A_96 : memref<10112x128xf32, #tpu.memory_space<vmem_shared>>)
        tpu.yield
      }) : () -> ()
    }
    %scan3A_32 = arith.constant 20 : i32
    %dma_wait3A_33 = arith.constant 0 : i32
    %dma_wait3A_34 = arith.constant 0 : i32
    %dma_wait3A_35 = tpu.memref_slice %arg7[%dma_wait3A_33, %dma_wait3A_34] : memref<40x128xi32, #tpu.memory_space<vmem>> -> memref<1x128xi32, #tpu.memory_space<vmem>>
    %dma_wait3A_36 = tpu.memref_squeeze %dma_wait3A_35 : memref<1x128xi32, #tpu.memory_space<vmem>> -> memref<128xi32, #tpu.memory_space<vmem>>
    %dma_wait3A_37 = arith.constant 0 : i32
    %dma_wait3A_38 = arith.constant 0 : i32
    %dma_wait3A_39 = tpu.memref_slice %arg2[%dma_wait3A_37, %dma_wait3A_38] : memref<10000x128xf32, #tpu.memory_space<hbm>> -> memref<10000x128xf32, #tpu.memory_space<hbm>>
    tpu.wait_indirect_dma semaphore(%arg12 : memref<!tpu.dma_semaphore, #tpu.memory_space<semaphore_mem>>) src(%dma_wait3A_39 : memref<10000x128xf32, #tpu.memory_space<hbm>>) dst(%arg9 : memref<128x128xf32, #tpu.memory_space<vmem>>)
    %barrier3A_40 = arith.constant 0 : index
    tpu.barrier barrier_id(%barrier3A_40)
    %mul3A_41 = arith.constant 632 : i32
    %mul3A_42 = arith.muli %arg1, %mul3A_41 : i32
    %mul3A_43 = arith.constant 632 : i32
    %mul3A_44 = arith.muli %arg1, %mul3A_43 : i32
    "tpu.region"() ({
      %run_scoped3A = tpu.sem_alloc : memref<!tpu.dma_semaphore, #tpu.memory_space<semaphore_mem>>
      %dma_start3A_45 = arith.constant 0 : i32
      %dma_start3A_46 = tpu.memref_slice %arg6[%arg0, %mul3A_44, %dma_start3A_45] : memref<2x10112x128xf32, #tpu.memory_space<hbm>> -> memref<1x632x128xf32, #tpu.memory_space<hbm>>
      %dma_start3A_47 = tpu.memref_squeeze %dma_start3A_46 : memref<1x632x128xf32, #tpu.memory_space<hbm>> -> memref<632x128xf32, #tpu.memory_space<hbm>>
      %dma_start3A_48 = arith.constant 0 : i32
      %dma_start3A_49 = tpu.memref_slice %arg11[%mul3A_42, %dma_start3A_48] : memref<10112x128xf32, #tpu.memory_space<vmem_shared>> -> memref<632x128xf32, #tpu.memory_space<vmem_shared>>
      tpu.enqueue_dma source(%dma_start3A_49 : memref<632x128xf32, #tpu.memory_space<vmem_shared>>) target(%dma_start3A_47 : memref<632x128xf32, #tpu.memory_space<hbm>>) target_semaphore(%run_scoped3A : memref<!tpu.dma_semaphore, #tpu.memory_space<semaphore_mem>>)
      %dma_wait3A_50 = arith.constant 0 : i32
      %dma_wait3A_51 = tpu.memref_slice %arg6[%arg0, %mul3A_44, %dma_wait3A_50] : memref<2x10112x128xf32, #tpu.memory_space<hbm>> -> memref<1x632x128xf32, #tpu.memory_space<hbm>>
      %dma_wait3A_52 = tpu.memref_squeeze %dma_wait3A_51 : memref<1x632x128xf32, #tpu.memory_space<hbm>> -> memref<632x128xf32, #tpu.memory_space<hbm>>
      %dma_wait3A_53 = arith.constant 0 : i32
      %dma_wait3A_54 = tpu.memref_slice %arg11[%mul3A_42, %dma_wait3A_53] : memref<10112x128xf32, #tpu.memory_space<vmem_shared>> -> memref<632x128xf32, #tpu.memory_space<vmem_shared>>
      tpu.wait_dma2 semaphore(%run_scoped3A : memref<!tpu.dma_semaphore, #tpu.memory_space<semaphore_mem>>) src(%dma_wait3A_54 : memref<632x128xf32, #tpu.memory_space<vmem_shared>>) dst(%dma_wait3A_52 : memref<632x128xf32, #tpu.memory_space<hbm>>)
      tpu.yield
    }) : () -> ()
    return
  }
}

module attributes {stable_mosaic.version = 14 : i64} {
  func.func @_merge_body(%arg0: memref<32x632x128xf32, #tpu.memory_space<vmem>>, %arg1: memref<128x16xf32, #tpu.memory_space<vmem>>, %arg2: memref<632x16xf32, #tpu.memory_space<vmem>>) attributes {dimension_semantics = [], scalar_prefetch = 0 : i64, scratch_operands = 0 : i64, tpu.core_type = #tpu.core_type<tc>} {
    %get3A = arith.constant 0 : index
    %get3A_0 = arith.constant 0 : index
    %get3A_1 = arith.constant 0 : index
    %get3A_2 = vector.load %arg0[%get3A, %get3A_0, %get3A_1] : memref<32x632x128xf32, #tpu.memory_space<vmem>>, vector<32x632x128xf32>
    %reduce_sum3A = arith.constant dense<0.000000e+00> : vector<632x128xf32>
    %reduce_sum3A_3 = vector.multi_reduction <add>, %get3A_2, %reduce_sum3A [0] : vector<32x632x128xf32> to vector<632x128xf32>
    %get3A_4 = arith.constant 0 : index
    %get3A_5 = arith.constant 0 : index
    %get3A_6 = vector.load %arg1[%get3A_4, %get3A_5] : memref<128x16xf32, #tpu.memory_space<vmem>>, vector<128x16xf32>
    %dot_general3A = arith.constant dense<0.000000e+00> : vector<632x16xf32>
    %dot_general3A_7 = tpu.matmul %reduce_sum3A_3, %get3A_6, %dot_general3A {dimension_numbers = #tpu.dot_dimension_numbers<[1], [0], [0], [1], [0, 0, 1, 1], [], []>, transpose_lhs_hint = false} : vector<632x128xf32>, vector<128x16xf32>, vector<632x16xf32> -> vector<632x16xf32>
    %add3A = arith.constant 1.000000e+00 : f32
    %add3A_8 = vector.broadcast %add3A : f32 to vector<632x16xf32>
    %add3A_9 = arith.addf %dot_general3A_7, %add3A_8 : vector<632x16xf32>
    %rsqrt3A = math.rsqrt %add3A_9 : vector<632x16xf32>
    %swap3A = arith.constant 0 : index
    %swap3A_10 = arith.constant 0 : index
    %swap3A_11 = vector.load %arg2[%swap3A, %swap3A_10] : memref<632x16xf32, #tpu.memory_space<vmem>>, vector<632x16xf32>
    tpu.vector_store %arg2[%swap3A, %swap3A_10], %rsqrt3A {strides = array<i32>} : memref<632x16xf32, #tpu.memory_space<vmem>>, vector<632x16xf32>,
    return
  }
}

module attributes {stable_mosaic.version = 14 : i64} {
  func.func @_k1_body(%arg0: memref<10112x1xf32, #tpu.memory_space<vmem>>, %arg1: memref<10000x128xf32, #tpu.memory_space<vmem>>, %arg2: memref<128x128xf32, #tpu.memory_space<vmem>>, %arg3: memref<1x128xf32, #tpu.memory_space<vmem>>, %arg4: memref<10000x128xf32, #tpu.memory_space<vmem>>) attributes {dimension_semantics = [], scalar_prefetch = 0 : i64, scratch_operands = 0 : i64, tpu.core_type = #tpu.core_type<tc>} {
    %get3A = arith.constant 0 : index
    %get3A_0 = arith.constant 0 : index
    %get3A_1 = vector.load %arg0[%get3A, %get3A_0] : memref<10112x1xf32, #tpu.memory_space<vmem>>, vector<10000x1xf32>
    %get3A_2 = arith.constant 0 : index
    %get3A_3 = arith.constant 0 : index
    %get3A_4 = vector.load %arg1[%get3A_2, %get3A_3] : memref<10000x128xf32, #tpu.memory_space<vmem>>, vector<10000x128xf32>
    %get3A_5 = arith.constant 0 : index
    %get3A_6 = arith.constant 0 : index
    %get3A_7 = vector.load %arg2[%get3A_5, %get3A_6] : memref<128x128xf32, #tpu.memory_space<vmem>>, vector<128x128xf32>
    %dot_general3A = arith.constant dense<0.000000e+00> : vector<10000x128xf32>
    %dot_general3A_8 = tpu.matmul %get3A_4, %get3A_7, %dot_general3A {dimension_numbers = #tpu.dot_dimension_numbers<[1], [1], [0], [0], [0, 0, 1, 0], [], []>, transpose_lhs_hint = false} : vector<10000x128xf32>, vector<128x128xf32>, vector<10000x128xf32> -> vector<10000x128xf32>
    %get3A_9 = arith.constant 0 : index
    %get3A_10 = arith.constant 0 : index
    %get3A_11 = vector.load %arg3[%get3A_9, %get3A_10] : memref<1x128xf32, #tpu.memory_space<vmem>>, vector<1x128xf32>
    %add3A = vector.broadcast %get3A_11 : vector<1x128xf32> to vector<10000x128xf32>
    %add3A_12 = arith.addf %dot_general3A_8, %add3A : vector<10000x128xf32>
    %mul3A = vector.broadcast %get3A_1 : vector<10000x1xf32> to vector<10000x128xf32>
    %mul3A_13 = arith.mulf %mul3A, %add3A_12 : vector<10000x128xf32>
    %swap3A = arith.constant 0 : index
    %swap3A_14 = arith.constant 0 : index
    %swap3A_15 = vector.load %arg4[%swap3A, %swap3A_14] : memref<10000x128xf32, #tpu.memory_space<vmem>>, vector<10000x128xf32>
    tpu.vector_store %arg4[%swap3A, %swap3A_14], %mul3A_13 {strides = array<i32>} : memref<10000x128xf32, #tpu.memory_space<vmem>>, vector<10000x128xf32>,
    return
  }
}

module attributes {stable_mosaic.version = 14 : i64} {
  func.func @_k2_body(%arg0: memref<2x10112x128xf32, #tpu.memory_space<vmem>>, %arg1: memref<10000x128xf32, #tpu.memory_space<vmem>>, %arg2: memref<10112x1xf32, #tpu.memory_space<vmem>>, %arg3: memref<1x128xf32, #tpu.memory_space<vmem>>, %arg4: memref<1x128xf32, #tpu.memory_space<vmem>>, %arg5: memref<128x128xf32, #tpu.memory_space<vmem>>, %arg6: memref<1x128xf32, #tpu.memory_space<vmem>>, %arg7: memref<10000x128xf32, #tpu.memory_space<vmem>>) attributes {dimension_semantics = [], scalar_prefetch = 0 : i64, scratch_operands = 0 : i64, tpu.core_type = #tpu.core_type<tc>} {
    %get3A = arith.constant 0 : index
    %get3A_0 = arith.constant 0 : index
    %get3A_1 = vector.load %arg2[%get3A, %get3A_0] : memref<10112x1xf32, #tpu.memory_space<vmem>>, vector<10000x1xf32>
    %get3A_2 = arith.constant 0 : index
    %get3A_3 = arith.constant 0 : index
    %get3A_4 = arith.constant 0 : index
    %get3A_5 = vector.load %arg0[%get3A_2, %get3A_3, %get3A_4] : memref<2x10112x128xf32, #tpu.memory_space<vmem>>, vector<1x10000x128xf32>
    %get3A_6 = vector.shape_cast %get3A_5 : vector<1x10000x128xf32> to vector<10000x128xf32>
    %get3A_7 = arith.constant 1 : index
    %get3A_8 = arith.constant 0 : index
    %get3A_9 = arith.constant 0 : index
    %get3A_10 = vector.load %arg0[%get3A_7, %get3A_8, %get3A_9] : memref<2x10112x128xf32, #tpu.memory_space<vmem>>, vector<1x10000x128xf32>
    %get3A_11 = vector.shape_cast %get3A_10 : vector<1x10000x128xf32> to vector<10000x128xf32>
    %add3A = arith.addf %get3A_6, %get3A_11 : vector<10000x128xf32>
    %get3A_12 = arith.constant 0 : index
    %get3A_13 = arith.constant 0 : index
    %get3A_14 = vector.load %arg1[%get3A_12, %get3A_13] : memref<10000x128xf32, #tpu.memory_space<vmem>>, vector<10000x128xf32>
    %add3A_15 = arith.addf %add3A, %get3A_14 : vector<10000x128xf32>
    %mul3A = vector.broadcast %get3A_1 : vector<10000x1xf32> to vector<10000x128xf32>
    %mul3A_16 = arith.mulf %mul3A, %add3A_15 : vector<10000x128xf32>
    %reduce_sum3A = arith.constant dense<0.000000e+00> : vector<128xf32>
    %reduce_sum3A_17 = vector.multi_reduction <add>, %mul3A_16, %reduce_sum3A [0] : vector<10000x128xf32> to vector<128xf32>
    %broadcast_in_dim3A = vector.shape_cast %reduce_sum3A_17 : vector<128xf32> to vector<1x128xf32>
    %div3A = arith.constant 1.000000e+04 : f32
    %div3A_18 = vector.broadcast %div3A : f32 to vector<1x128xf32>
    %div3A_19 = arith.divf %broadcast_in_dim3A, %div3A_18 : vector<1x128xf32>
    %mul3A_20 = arith.mulf %mul3A_16, %mul3A_16 : vector<10000x128xf32>
    %reduce_sum3A_21 = arith.constant dense<0.000000e+00> : vector<128xf32>
    %reduce_sum3A_22 = vector.multi_reduction <add>, %mul3A_20, %reduce_sum3A_21 [0] : vector<10000x128xf32> to vector<128xf32>
    %broadcast_in_dim3A_23 = vector.shape_cast %reduce_sum3A_22 : vector<128xf32> to vector<1x128xf32>
    %div3A_24 = arith.constant 1.000000e+04 : f32
    %div3A_25 = vector.broadcast %div3A_24 : f32 to vector<1x128xf32>
    %div3A_26 = arith.divf %broadcast_in_dim3A_23, %div3A_25 : vector<1x128xf32>
    %mul3A_27 = arith.mulf %div3A_19, %div3A_19 : vector<1x128xf32>
    %sub3A = arith.subf %div3A_26, %mul3A_27 : vector<1x128xf32>
    %get3A_28 = arith.constant 0 : index
    %get3A_29 = arith.constant 0 : index
    %get3A_30 = vector.load %arg3[%get3A_28, %get3A_29] : memref<1x128xf32, #tpu.memory_space<vmem>>, vector<1x128xf32>
    %sub3A_31 = vector.broadcast %div3A_19 : vector<1x128xf32> to vector<10000x128xf32>
    %sub3A_32 = arith.subf %mul3A_16, %sub3A_31 : vector<10000x128xf32>
    %mul3A_33 = vector.broadcast %get3A_30 : vector<1x128xf32> to vector<10000x128xf32>
    %mul3A_34 = arith.mulf %mul3A_33, %sub3A_32 : vector<10000x128xf32>
    %add3A_35 = arith.constant 9.99999974E-6 : f32
    %add3A_36 = vector.broadcast %add3A_35 : f32 to vector<1x128xf32>
    %add3A_37 = arith.addf %sub3A, %add3A_36 : vector<1x128xf32>
    %rsqrt3A = math.rsqrt %add3A_37 : vector<1x128xf32>
    %mul3A_38 = vector.broadcast %rsqrt3A : vector<1x128xf32> to vector<10000x128xf32>
    %mul3A_39 = arith.mulf %mul3A_34, %mul3A_38 : vector<10000x128xf32>
    %get3A_40 = arith.constant 0 : index
    %get3A_41 = arith.constant 0 : index
    %get3A_42 = vector.load %arg4[%get3A_40, %get3A_41] : memref<1x128xf32, #tpu.memory_space<vmem>>, vector<1x128xf32>
    %add3A_43 = vector.broadcast %get3A_42 : vector<1x128xf32> to vector<10000x128xf32>
    %add3A_44 = arith.addf %mul3A_39, %add3A_43 : vector<10000x128xf32>
    %ge3A = arith.constant 0.000000e+00 : f32
    %ge3A_45 = vector.broadcast %ge3A : f32 to vector<10000x128xf32>
    %ge3A_46 = arith.cmpf oge, %add3A_44, %ge3A_45 : vector<10000x128xf32>
    %mul3A_47 = arith.constant 1.000000e-01 : f32
    %mul3A_48 = vector.broadcast %mul3A_47 : f32 to vector<10000x128xf32>
    %mul3A_49 = arith.mulf %mul3A_48, %add3A_44 : vector<10000x128xf32>
    %select_n3A = arith.select %ge3A_46, %add3A_44, %mul3A_49 : vector<10000x128xi1>, vector<10000x128xf32>
    %get3A_50 = arith.constant 0 : index
    %get3A_51 = arith.constant 0 : index
    %get3A_52 = vector.load %arg5[%get3A_50, %get3A_51] : memref<128x128xf32, #tpu.memory_space<vmem>>, vector<128x128xf32>
    %dot_general3A = arith.constant dense<0.000000e+00> : vector<10000x128xf32>
    %dot_general3A_53 = tpu.matmul %select_n3A, %get3A_52, %dot_general3A {dimension_numbers = #tpu.dot_dimension_numbers<[1], [1], [0], [0], [0, 0, 1, 0], [], []>, transpose_lhs_hint = false} : vector<10000x128xf32>, vector<128x128xf32>, vector<10000x128xf32> -> vector<10000x128xf32>
    %get3A_54 = arith.constant 0 : index
    %get3A_55 = arith.constant 0 : index
    %get3A_56 = vector.load %arg6[%get3A_54, %get3A_55] : memref<1x128xf32, #tpu.memory_space<vmem>>, vector<1x128xf32>
    %add3A_57 = vector.broadcast %get3A_56 : vector<1x128xf32> to vector<10000x128xf32>
    %add3A_58 = arith.addf %dot_general3A_53, %add3A_57 : vector<10000x128xf32>
    %mul3A_59 = vector.broadcast %get3A_1 : vector<10000x1xf32> to vector<10000x128xf32>
    %mul3A_60 = arith.mulf %mul3A_59, %add3A_58 : vector<10000x128xf32>
    %swap3A = arith.constant 0 : index
    %swap3A_61 = arith.constant 0 : index
    %swap3A_62 = vector.load %arg7[%swap3A, %swap3A_61] : memref<10000x128xf32, #tpu.memory_space<vmem>>, vector<10000x128xf32>
    tpu.vector_store %arg7[%swap3A, %swap3A_61], %mul3A_60 {strides = array<i32>} : memref<10000x128xf32, #tpu.memory_space<vmem>>, vector<10000x128xf32>,
    return
  }
}

module attributes {stable_mosaic.version = 14 : i64} {
  func.func @_k3_body(%arg0: memref<2x10112x128xf32, #tpu.memory_space<vmem>>, %arg1: memref<10000x128xf32, #tpu.memory_space<vmem>>, %arg2: memref<10112x1xf32, #tpu.memory_space<vmem>>, %arg3: memref<1x128xf32, #tpu.memory_space<vmem>>, %arg4: memref<1x128xf32, #tpu.memory_space<vmem>>, %arg5: memref<10000x128xf32, #tpu.memory_space<vmem>>) attributes {dimension_semantics = [], scalar_prefetch = 0 : i64, scratch_operands = 0 : i64, tpu.core_type = #tpu.core_type<tc>} {
    %get3A = arith.constant 0 : index
    %get3A_0 = arith.constant 0 : index
    %get3A_1 = vector.load %arg2[%get3A, %get3A_0] : memref<10112x1xf32, #tpu.memory_space<vmem>>, vector<10000x1xf32>
    %get3A_2 = arith.constant 0 : index
    %get3A_3 = arith.constant 0 : index
    %get3A_4 = arith.constant 0 : index
    %get3A_5 = vector.load %arg0[%get3A_2, %get3A_3, %get3A_4] : memref<2x10112x128xf32, #tpu.memory_space<vmem>>, vector<1x10000x128xf32>
    %get3A_6 = vector.shape_cast %get3A_5 : vector<1x10000x128xf32> to vector<10000x128xf32>
    %get3A_7 = arith.constant 1 : index
    %get3A_8 = arith.constant 0 : index
    %get3A_9 = arith.constant 0 : index
    %get3A_10 = vector.load %arg0[%get3A_7, %get3A_8, %get3A_9] : memref<2x10112x128xf32, #tpu.memory_space<vmem>>, vector<1x10000x128xf32>
    %get3A_11 = vector.shape_cast %get3A_10 : vector<1x10000x128xf32> to vector<10000x128xf32>
    %add3A = arith.addf %get3A_6, %get3A_11 : vector<10000x128xf32>
    %get3A_12 = arith.constant 0 : index
    %get3A_13 = arith.constant 0 : index
    %get3A_14 = vector.load %arg1[%get3A_12, %get3A_13] : memref<10000x128xf32, #tpu.memory_space<vmem>>, vector<10000x128xf32>
    %add3A_15 = arith.addf %add3A, %get3A_14 : vector<10000x128xf32>
    %mul3A = vector.broadcast %get3A_1 : vector<10000x1xf32> to vector<10000x128xf32>
    %mul3A_16 = arith.mulf %mul3A, %add3A_15 : vector<10000x128xf32>
    %reduce_sum3A = arith.constant dense<0.000000e+00> : vector<128xf32>
    %reduce_sum3A_17 = vector.multi_reduction <add>, %mul3A_16, %reduce_sum3A [0] : vector<10000x128xf32> to vector<128xf32>
    %broadcast_in_dim3A = vector.shape_cast %reduce_sum3A_17 : vector<128xf32> to vector<1x128xf32>
    %div3A = arith.constant 1.000000e+04 : f32
    %div3A_18 = vector.broadcast %div3A : f32 to vector<1x128xf32>
    %div3A_19 = arith.divf %broadcast_in_dim3A, %div3A_18 : vector<1x128xf32>
    %mul3A_20 = arith.mulf %mul3A_16, %mul3A_16 : vector<10000x128xf32>
    %reduce_sum3A_21 = arith.constant dense<0.000000e+00> : vector<128xf32>
    %reduce_sum3A_22 = vector.multi_reduction <add>, %mul3A_20, %reduce_sum3A_21 [0] : vector<10000x128xf32> to vector<128xf32>
    %broadcast_in_dim3A_23 = vector.shape_cast %reduce_sum3A_22 : vector<128xf32> to vector<1x128xf32>
    %div3A_24 = arith.constant 1.000000e+04 : f32
    %div3A_25 = vector.broadcast %div3A_24 : f32 to vector<1x128xf32>
    %div3A_26 = arith.divf %broadcast_in_dim3A_23, %div3A_25 : vector<1x128xf32>
    %mul3A_27 = arith.mulf %div3A_19, %div3A_19 : vector<1x128xf32>
    %sub3A = arith.subf %div3A_26, %mul3A_27 : vector<1x128xf32>
    %get3A_28 = arith.constant 0 : index
    %get3A_29 = arith.constant 0 : index
    %get3A_30 = vector.load %arg3[%get3A_28, %get3A_29] : memref<1x128xf32, #tpu.memory_space<vmem>>, vector<1x128xf32>
    %sub3A_31 = vector.broadcast %div3A_19 : vector<1x128xf32> to vector<10000x128xf32>
    %sub3A_32 = arith.subf %mul3A_16, %sub3A_31 : vector<10000x128xf32>
    %mul3A_33 = vector.broadcast %get3A_30 : vector<1x128xf32> to vector<10000x128xf32>
    %mul3A_34 = arith.mulf %mul3A_33, %sub3A_32 : vector<10000x128xf32>
    %add3A_35 = arith.constant 9.99999974E-6 : f32
    %add3A_36 = vector.broadcast %add3A_35 : f32 to vector<1x128xf32>
    %add3A_37 = arith.addf %sub3A, %add3A_36 : vector<1x128xf32>
    %rsqrt3A = math.rsqrt %add3A_37 : vector<1x128xf32>
    %mul3A_38 = vector.broadcast %rsqrt3A : vector<1x128xf32> to vector<10000x128xf32>
    %mul3A_39 = arith.mulf %mul3A_34, %mul3A_38 : vector<10000x128xf32>
    %get3A_40 = arith.constant 0 : index
    %get3A_41 = arith.constant 0 : index
    %get3A_42 = vector.load %arg4[%get3A_40, %get3A_41] : memref<1x128xf32, #tpu.memory_space<vmem>>, vector<1x128xf32>
    %add3A_43 = vector.broadcast %get3A_42 : vector<1x128xf32> to vector<10000x128xf32>
    %add3A_44 = arith.addf %mul3A_39, %add3A_43 : vector<10000x128xf32>
    %ge3A = arith.constant 0.000000e+00 : f32
    %ge3A_45 = vector.broadcast %ge3A : f32 to vector<10000x128xf32>
    %ge3A_46 = arith.cmpf oge, %add3A_44, %ge3A_45 : vector<10000x128xf32>
    %mul3A_47 = arith.constant 1.000000e-01 : f32
    %mul3A_48 = vector.broadcast %mul3A_47 : f32 to vector<10000x128xf32>
    %mul3A_49 = arith.mulf %mul3A_48, %add3A_44 : vector<10000x128xf32>
    %select_n3A = arith.select %ge3A_46, %add3A_44, %mul3A_49 : vector<10000x128xi1>, vector<10000x128xf32>
    %swap3A = arith.constant 0 : index
    %swap3A_50 = arith.constant 0 : index
    %swap3A_51 = vector.load %arg5[%swap3A, %swap3A_50] : memref<10000x128xf32, #tpu.memory_space<vmem>>, vector<10000x128xf32>
    tpu.vector_store %arg5[%swap3A, %swap3A_50], %select_n3A {strides = array<i32>} : memref<10000x128xf32, #tpu.memory_space<vmem>>, vector<10000x128xf32>,
    return
  }
}

</mosaic_0001>

<sc_bundles>
// kernel: kernel.12.cloned.1.call-start
scs
__scs_entry_jumppad:
0x0: {  	(pc) =	sbr.rel $0x88, $3  }
0x1: {  	(tag) =	ssettag $0x0;
	lr =	simm.s32 $0x1  }
0x2: {  	[smem:$0x3F97] =	sst lr;
	_ =	strace $0xD0000000  }
0x3: {  	_ = 	snop  }
0x4: {  	_ = 	snop  }
0x5: {  	_ = 	snop  }
0x6: {  	_ = 	snop  }
0x7: {  	_ = 	snop  }
__scs_overlays_trampoline_lowered:
0x8: {  	[smem:$0x3FA6] =	sst s0  }
0x9: {  	[smem:$0x3FA7] =	sst s1  }
0xa: {  	[smem:$0x3FA8] =	sst s2  }
0xb: {  	[smem:$0x3FA9] =	sst s3  }
0xc: {  	[smem:$0x3FAA] =	sst s4  }
0xd: {  	[smem:$0x3FAB] =	sst s5  }
0xe: {  	[smem:$0x3FAC] =	sst s6  }
0xf: {  	[smem:$0x3FAD] =	sst s7  }
0x10: {  	[smem:$0x3FAE] =	sst s8  }
0x11: {  	[smem:$0x3FAF] =	sst s9;
	s0 =	simm.s32 @!p0 $0x0  }
0x12: {  	s1 =	sld [smem:$0x3F95];
	s0 =	simm.s32 @p0 $0x1  }
0x13: {  	[smem:$0x3FB0] =	sst s0;
	s0 =	simm.s32 @!p1 $0x0  }
0x14: {  	s2 =	sld [smem:$0x3F94];
	s0 =	simm.s32 @p1 $0x1  }
0x15: {  	[smem:$0x3FB1] =	sst s0;
	s0 =	simm.s32 @!p2 $0x0  }
0x16: {  	s3 =	sld [smem:$0x3FDB];
	s0 =	simm.s32 @p2 $0x1  }
0x17: {  	s4 =	simm.s32 $0x1BF5;
	[smem:$0x3FB3] =	sst s0  }
0x18: {  	s0 =	sld [smem:$0x3F96];
	_ =	swait.ge [sflag:s4], $0x0  }
0x19: {  	s7 =	sld [smem:$0x3F97]  }
0x1a: {  	s8 =	sadd.s32 $0xFFFFE003, lr  }
0x1b: {  	s9 =	sadd.s32 $0xFFFFFEF7, lr;
	s5 =	simm.s32 $0xFFFFFFFF;
	p2 =	slt.u32 s8, $0xFFFFF086  }
0x1c: {  	p1 =	slt.u32 s9, $0xF7A;
	s5 =	simm.s32 @!p2 $0x0  }
0x1d: {  	s5 =	simm.s32 @p1 $0x1;
	p0 =	seq.s32 s7, s2  }
0x1e: {  	s7 =	smul.u32 @!p0 $0xF7A, s2;
	p2 =	seq.s32 @!p0 s5, $0x0  }
0x1f: {  	s9 =	smul.u32 $0xF7A, s1;
	s8 =	simm.s32 @!p0 $0x1BF5;
	p2 =	por !p2, p0  }
0x20: {  	[sflag:s8] =	ssyncset.s32 @!p0 $0xFFFFF086;
	s6 =	sadd.s32 @!p0 s3, s7;
	s7 =	simm.s32 @!p0 $0x108  }
0x21: {  	s3 =	sadd.s32 s3, s9;
	s6 =	sadd.s32 @!p0 $0x88, s6;
	s7 =	simm.s32 @p2 $0x1082  }
0x22: {  	[simem:s7], [sflag:s8] =	dma.local @!p0 [hbm:s6], $0xF7A  }
0x23: {  	s9 =	sor.u32 $0xD0000000, s2;
	s6 =	simm.s32 $0x108;
	_ =	swait.ge @!p0 [sflag:s8], $0x0  }
0x24: {  	s3 =	sadd.s32 $0x88, s3;
	s6 =	simm.s32 @!p1 $0x1082;
	[sflag:s4] =	ssyncset.s32 $0xFFFFF086  }
0x25: {  	[simem:s6], [sflag:s4] =	dma.local [hbm:s3], $0xF7A  }
0x26: {  	[smem:$0x3F97] =	sst s1;
	(tag) =	ssettag s2;
	_ =	strace s9  }
0x27: {  	s1 =	sld [smem:$0x3FA7]  }
0x28: {  	s2 =	sld [smem:$0x3FA8]  }
0x29: {  	s4 =	sld [smem:$0x3FAA]  }
0x2a: {  	p0 =	seq.s32 s5, $0x0;
	s5 =	sld [smem:$0x3FAB]  }
0x2b: {  	s6 =	sld [smem:$0x3FAC]  }
0x2c: {  	s7 =	sld [smem:$0x3FAD]  }
0x2d: {  	s3 =	simm.s32 $0x108;
	s8 =	sld [smem:$0x3FAE]  }
0x2e: {  	s3 =	simm.s32 @!p0 $0x1082;
	s9 =	sld [smem:$0x3FAF]  }
0x2f: {  	lr =	sadd.s32 s0, s3;
	s0 =	sld [smem:$0x3FA6]  }
0x30: {  	s3 =	sld [smem:$0x3FA9]  }
0x31: {  	[smem:$0x3FB2] =	sst s10  }
0x32: {  	s10 =	sld [smem:$0x3FB0];
	_ =	sdelay $0x3  }
0x33: {  	p0 =	seq.s32 s10, $0x1;
	s10 =	sld [smem:$0x3FB2];
	_ =	sdelay $0x3  }
0x34: {  	[smem:$0x3FB2] =	sst s10  }
0x35: {  	s10 =	sld [smem:$0x3FB1];
	_ =	sdelay $0x3  }
0x36: {  	p1 =	seq.s32 s10, $0x1;
	s10 =	sld [smem:$0x3FB2];
	_ =	sdelay $0x3  }
0x37: {  	[smem:$0x3FB2] =	sst s10  }
0x38: {  	s10 =	sld [smem:$0x3FB3]  }
0x39: {  	_ = 	snop;
	(pc) =	sbr.ind lr, $3  }
0x3a: {  	_ = 	snop  }
0x3b: {  	_ = 	snop  }
0x3c: {  	p2 =	seq.s32 s10, $0x1;
	s10 =	sld [smem:$0x3FB2]  }
0x3d: {  	_ =	shalt  }
0x3e: {  	_ =	shalt  }
0x3f: {  	_ =	shalt  }
0x40: {  	_ =	shalt  }
0x41: {  	_ =	shalt  }
0x42: {  	_ =	shalt  }
0x43: {  	_ =	shalt  }
0x44: {  	_ =	shalt  }
0x45: {  	_ =	shalt  }
0x46: {  	_ =	shalt  }
0x47: {  	_ =	shalt  }
0x48: {  	_ =	shalt  }
0x49: {  	_ =	shalt  }
0x4a: {  	_ =	shalt  }
0x4b: {  	_ =	shalt  }
0x4c: {  	_ =	shalt  }
0x4d: {  	_ =	shalt  }
0x4e: {  	_ =	shalt  }
0x4f: {  	_ =	shalt  }
0x50: {  	_ =	shalt  }
0x51: {  	_ =	shalt  }
0x52: {  	_ =	shalt  }
0x53: {  	_ =	shalt  }
0x54: {  	_ =	shalt  }
0x55: {  	_ =	shalt  }
0x56: {  	_ =	shalt  }
0x57: {  	_ =	shalt  }
0x58: {  	_ =	shalt  }
0x59: {  	_ =	shalt  }
0x5a: {  	_ =	shalt  }
0x5b: {  	_ =	shalt  }
0x5c: {  	_ =	shalt  }
0x5d: {  	_ =	shalt  }
0x5e: {  	_ =	shalt  }
0x5f: {  	_ =	shalt  }
0x60: {  	_ =	shalt  }
0x61: {  	_ =	shalt  }
0x62: {  	_ =	shalt  }
0x63: {  	_ =	shalt  }
0x64: {  	_ =	shalt  }
0x65: {  	_ =	shalt  }
0x66: {  	_ =	shalt  }
0x67: {  	_ =	shalt  }
0x68: {  	_ =	shalt  }
0x69: {  	_ =	shalt  }
0x6a: {  	_ =	shalt  }
0x6b: {  	_ =	shalt  }
0x6c: {  	_ =	shalt  }
0x6d: {  	_ =	shalt  }
0x6e: {  	_ =	shalt  }
0x6f: {  	_ =	shalt  }
0x70: {  	_ =	shalt  }
0x71: {  	_ =	shalt  }
0x72: {  	_ =	shalt  }
0x73: {  	_ =	shalt  }
0x74: {  	_ =	shalt  }
0x75: {  	_ =	shalt  }
0x76: {  	_ =	shalt  }
0x77: {  	_ =	shalt  }
0x78: {  	_ =	shalt  }
0x79: {  	_ =	shalt  }
0x7a: {  	_ =	shalt  }
0x7b: {  	_ =	shalt  }
0x7c: {  	_ =	shalt  }
0x7d: {  	_ =	shalt  }
0x7e: {  	_ =	shalt  }
0x7f: {  	_ =	shalt  }
0x80: {  	_ =	shalt  }
0x81: {  	_ =	shalt  }
0x82: {  	_ =	shalt  }
0x83: {  	_ =	shalt  }
0x84: {  	_ =	shalt  }
0x85: {  	_ =	shalt  }
0x86: {  	_ =	shalt  }
0x87: {  	_ =	shalt  }
.Lfunc_end0:
.L_simem_size_0:
called_computation.1_lowered:
.L_overlay_start_0:
0x88: {  	s2 =	sld [smem:$0x3FD9]  }
0x89: {  	s3 =	sld [smem:$0x3FFE];
	_ =	sdelay $0x1  }
0x8a: {  	s1 =	srdreg.scid  }
0x8b: {  	s0 =	sand.u32 $0x1, s1  }
0x8c: {  	s17 =	sshll.u32 s0, $0xA;
	s2 =	sadd.s32 s3, s2  }
0x8d: {  	s2 =	sadd.s32 s2, s17  }
0x8e: {  	[smem:$0x3FBE] =	sst s2  }
0x8f: {  	_ = 	snop  }
0x90: {  	s2 =	sld [smem:$0x3FD0];
	(tm) =	ssettm $0x1  }
0x91: {  	s18 =	sld [smem:$0x3FFB];
	_ =	sdelay $0x3  }
0x92: {  	_ =	strace s18  }
0x93: {  	s3 =	sld [smem:$0x3FFC];
	_ =	sdelay $0x3  }
0x94: {  	_ =	strace s3  }
0x95: {  	s3 =	sld [smem:$0x3FFD];
	_ =	sdelay $0x3  }
0x96: {  	_ =	strace s3  }
0x97: {  	_ =	strace $0x8FFFFFFF  }
0x98: {  	s19 =	sld [smem:$0x3FDB];
	_ =	sdelay $0x1  }
0x99: {  	s4 =	simm.s32 $_scs_section_size  }
0x9a: {  	s5 =	simm.s32 $_size__tile_overlayer_lowered;
	s6 =	simm.s32 $_tile_overlayer_lowered  }
0x9b: {  	s22 =	simm.s32 $0x1BFF;
	s21 =	sshll.u32 s6, $0x1;
	s3 =	sadd.s32 s4, s19  }
0x9c: {  	s7 =	simm.s32 $0x0;
	s20 =	sshll.u32 s5, $0x1;
	s5 =	sadd.s32 s21, s3  }
0x9d: {  	[timem:s7], [sflag:s22] =	dma.local [hbm:s5], s20  }
0x9e: {  	_ =	swait.ge [sflag:s22], s20  }
0x9f: {  	s4 =	ssub.s32 $0x0, s20;
	[sflag:s22] =	ssyncset.done $0x0  }
0xa0: {  	[sflag:s22] =	ssyncadd.s32 s4;
	_ =	sdelay $0x1  }
0xa1: {  	s23 =	simm.s32 $0x1B8B  }
0xa2: {  	_ =	swait.ge [sflag:s23], $0x1  }
0xa3: {  	[sflag:s23] =	ssyncset.done $0x0  }
0xa4: {  	s25 =	simm.s32 $0x1B8E;
	s24 =	sld [smem:$0x3FFE];
	[sflag:s23] =	ssyncadd.s32 $0xFFFFFFFF  }
0xa5: {  	s26 =	simm.s32 $execute0_lowered;
	[smem:$0x3FD2] =	sst s25  }
0xa6: {  	s5 =	sshll.u32 s26, $0x1;
	_ =	strace $0x80000049;
	[dreg:$0x1] =	wrdreg $0xFFFFFFFF  }
0xa7: {  	s28 =	simm.s32 $_size_execute0_lowered;
	s3 =	sadd.s32 s3, s5;
	[dreg:$0x0] =	wrdreg $0x0  }
0xa8: {  	s5 =	sshll.u32 s28, $0x1;
	[dreg:$0x2] =	wrdreg s3  }
0xa9: {  	[dreg:$0x3] =	wrdreg s5  }
0xaa: {  	[dreg:$0x4] =	wrdreg $0xC0  }
0xab: {  	_ =	task [dreg:s7], $0x5FFFF  }
0xac: {  	[dreg:$0x1] =	wrdreg $0xFFFFFFFF  }
0xad: {  	[dreg:$0x0] =	wrdreg $0x60  }
0xae: {  	[dreg:$0x2] =	wrdreg s2  }
0xaf: {  	[dreg:$0x3] =	wrdreg s24  }
0xb0: {  	[dreg:$0x4] =	wrdreg $0xA8000  }
0xb1: {  	[dreg:$0x5] =	wrdreg $0x9  }
0xb2: {  	_ =	task.clear_ibuf [dreg:s7], $0x6FFFF;
	_ =	strace $0x90000049  }
0xb3: {  	s29 =	simm.s32 $0x9;
	_ =	strace $0x8000004B  }
0xb4: {  	_ =	swait.ge [sflag:s29], $0x1  }
0xb5: {  	[sflag:s29] =	ssyncadd.s32 $0xFFFFFFFF  }
0xb6: {  	_ =	strace $0x9000004B  }
0xb7: {  	_ =	sfence  }
0xb8: {  	s30 =	sld [smem:$0x0];
	_ =	sdelay $0x2  }
0xb9: {  	s31 =	sshll.u32 s1, $0xD;
	s1 =	sshrl.u32 s1, $0x2  }
0xba: {  	s3 =	sand.u32 $0x4000, s31;
	s1 =	sadd.s32 s1, s30  }
0xbb: {  	s0 =	sor.u32 s3, s0;
	s1 =	sshll.u32 s1, $0x11  }
0xbc: {  	s0 =	sor.u32 s1, s0  }
0xbd: {  	s0 =	sadd.s32 $0x8F2B, s0  }
0xbe: {  	[sflag:s0] =	ssyncadd.remote.s32 $0x1  }
0xbf: {  	_ =	sfence.sel $0xFFFF  }
0xc0: {  	[dreg:$0x0] =	wrdreg $0xFFFFFFFF;
	(pc) =	sbr.abs _section_cstart, $3  }
0xc1: {  	[dreg:$0x1] =	wrdreg $0xFFFFFFFF  }
0xc2: {  	_ =	task.clear_ibuf [dreg:s7], $0x2FFFF;
	_ =	strace $0x9FFFFFFF  }
0xc3: {  	(tm) =	ssettm $0x7FFFFFFF  }
tec
execute0_lowered:
.L_overlay_start_1:
0x0: {  	(tag) =	ssettag $0x1  }
0x1: {  	s1 =	rddreg [dreg:$0x0]  }
0x2: {  	s6 =	rddreg [dreg:$0x1]  }
0x3: {  	s2 =	rddreg [dreg:$0x2];
	s3 =	srdreg.scid  }
0x4: {  	s0 =	rddreg [dreg:$0x3];
	s4 =	simm.s32 $0x0;
	s15 =	simm.s32 $0x1400  }
0x5: {  	s16 =	simm.s32 $0x80;
	s17 =	simm.s32 $0x2800;
	s18 =	simm.s32 $0x6800  }
0x6: {  	s19 =	simm.s32 $0x1;
	s20 =	simm.s32 $0x2;
	s21 =	simm.s32 $0x1380  }
0x7: {  	s22 =	simm.s32 $0x2700;
	s5 =	sand.u32 $0x1, s3;
	s3 =	stileid.u32  }
0x8: {  	s23 =	simm.s32 $0x2780;
	[smem:$0x7FF] =	sst s4;
	s7 =	smul.u32 $0x13C000, s5  }
0x9: {  	s9 =	sadd.s32 $0x3200, s6;
	s10 =	sadd.s32 $0xD200, s6;
	s8 =	smul.u32 $0x13C00, s3  }
0xa: {  	_ =	strace $0x8000004A;
	s24 =	sshll.u32 s3, $0x1;
	s11 =	ssub.s32 $0x2, s5  }
0xb: {  	s25 =	smul.u32 $0x4F000, s3;
	s28 =	sshll.u32 s3, $0x6;
	s5 =	sor.u32 s5, s24  }
0xc: {  	s12 =	sshrl.u32 s11, $0x1;
	s24 =	simm.s32 $0x0;
	s7 =	sadd.s32 s8, s7  }
0xd: {  	s13 =	smul.u32 $0x2800, s5;
	s5 =	sadd.s32 $0x17200, s6;
	s26 =	sshrl.u32 s25, $0x2  }
0xe: {  	s12 =	ssub.s32 s11, s12;
	s7 =	sshrl.u32 s7, $0x3;
	s30 =	sadd.s32 s26, s2  }
0xf: {  	s12 =	smax.u32 s12, $0x1;
	s14 =	sadd.s32 s7, s6;
	s29 =	sshrl.u32 s13, $0x3  }
0x10: {  	s6 =	sor.u32 $0x1C03, s28;
	s13 =	sshrl.u32 s30, $0x3;
	s31 =	sadd.s32 $0x280, s29  }
0x11: {  	s7 =	sadd.s32 s9, s29;
	s8 =	sadd.s32 s10, s29;
	s11 =	sadd.s32 $0x19A00, s14  }
0x12: {  	s14 =	simm.s32 $0x3;
	s9 =	sadd.s32 s9, s31;
	s10 =	sadd.s32 s10, s31  }
.LBB2_1:
0x13: {  	[spmem:s13], [sflag:s6] =	dma.local [hbm:s5], $0x2780  }
0x14: {  	_ =	swait.ge [sflag:s14], $0x2780  }
0x15: {  	[sflag:s14] =	ssyncset.done $0x0  }
0x16: {  	[sflag:s14] =	ssyncadd.s32 $0xFFFFD880  }
0x17: {  	[bflag:$0x0] =	sbarrier.arrive $0xFFFF  }
0x18: {  	[tilespmem:s4], [sflag:$0x3] =	stream.linear.gather [hbm4b:s7+s4], $0x1400, $0x38;
	[tilespmem:$0x1E400] =	vst v63  }
0x19: {  	_ =	swait.ge [sflag:s14], $0x1400  }
0x1a: {  	[sflag:s14] =	ssyncset.done $0x0  }
0x1b: {  	[sflag:s14] =	ssyncadd.s32 $0xFFFFEC00  }
0x1c: {  	[tilespmem:s15], [sflag:$0x3] =	stream.linear.gather [hbm4b:s8+s4], $0x1400, $0x38;
	[tilespmem:$0x1E400] =	vst v63  }
0x1d: {  	_ =	swait.ge [sflag:s14], $0x1400  }
0x1e: {  	[sflag:s14] =	ssyncset.done $0x0  }
0x1f: {  	[sflag:s14] =	ssyncadd.s32 $0xFFFFEC00  }
0x20: {  	[tilespmem:s17], [sflag:$0x1] =	stream.indirect.gather [hbm4b:s1+s16], $0x80, s4, s16, $0xb8;
	[tilespmem:$0x1E400] =	vst v63  }
0x21: {  	s25 =	simm.s32 $0x80  }
0x22: {  	[tilespmem:s18], [sflag:$0x2] =	stream.indirect.gather [hbm4b:s1+s16], $0x80, s25, s16, $0xb8;
	[tilespmem:$0x1E400] =	vst v63  }
0x23: {  	_ =	swait.ge [sflag:s19], $0x4000  }
0x24: {  	[sflag:s19] =	ssyncset.done $0x0  }
0x25: {  	s29 =	simm.s32 $0x1400;
	[sflag:s19] =	ssyncadd.s32 $0xFFFFC000  }
0x26: {  	[spmem:s2] =	stream.indirect.scatter.add.f32 [tilespmem:s17], [sflag:$0x3], $0x80, s29, s16, $0xb8;
	[tilespmem:$0x1E400] =	vst v63  }
0x27: {  	_ =	swait.ge [sflag:s14], $0x4000  }
0x28: {  	[sflag:s14] =	ssyncset.done $0x0  }
0x29: {  	s30 =	simm.s32 $0x100;
	[sflag:s14] =	ssyncadd.s32 $0xFFFFC000  }
0x2a: {  	[tilespmem:s17], [sflag:$0x1] =	stream.indirect.gather [hbm4b:s1+s16], $0x80, s30, s16, $0xb8;
	[tilespmem:$0x1E400] =	vst v63  }
0x2b: {  	_ =	swait.ge [sflag:s20], $0x4000  }
0x2c: {  	[sflag:s20] =	ssyncset.done $0x0  }
0x2d: {  	s31 =	simm.s32 $0x1480;
	[sflag:s20] =	ssyncadd.s32 $0xFFFFC000  }
0x2e: {  	[spmem:s2] =	stream.indirect.scatter.add.f32 [tilespmem:s18], [sflag:$0x3], $0x80, s31, s16, $0xb8;
	[tilespmem:$0x1E400] =	vst v63  }
0x2f: {  	_ =	swait.ge [sflag:s14], $0x4000  }
0x30: {  	s26 =	simm.s32 $0x800;
	s25 =	simm.s32 $0x100;
	[sflag:s14] =	ssyncset.done $0x0  }
.LBB2_2:
0x31: {  	s28 =	sadd.s32 $0x80, s25  }
0x32: {  	[sflag:s14] =	ssyncadd.s32 $0xFFFFC000;
	s29 =	smov.u32 s26;
	s30 =	sadd.s32 $0x400, s26  }
0x33: {  	[tilespmem:s18], [sflag:$0x2] =	stream.indirect.gather [hbm4b:s1+s16], $0x80, s28, s16, $0xb8;
	[tilespmem:$0x1E400] =	vst v63  }
0x34: {  	p0 =	sne.s32 s26, $0x4800;
	_ =	swait.ge [sflag:s19], $0x4000  }
0x35: {  	[sflag:s19] =	ssyncset.done $0x0  }
0x36: {  	s26 =	sadd.s32 $0x1400, s25;
	[sflag:s19] =	ssyncadd.s32 $0xFFFFC000  }
0x37: {  	[spmem:s2] =	stream.indirect.scatter.add.f32 [tilespmem:s17], [sflag:$0x3], $0x80, s26, s16, $0xb8;
	[tilespmem:$0x1E400] =	vst v63  }
0x38: {  	_ =	swait.ge [sflag:s14], $0x4000  }
0x39: {  	[sflag:s14] =	ssyncset.done $0x0  }
0x3a: {  	s26 =	sadd.s32 $0x100, s25;
	[sflag:s14] =	ssyncadd.s32 $0xFFFFC000  }
0x3b: {  	[tilespmem:s17], [sflag:$0x1] =	stream.indirect.gather [hbm4b:s1+s16], $0x80, s26, s16, $0xb8;
	[tilespmem:$0x1E400] =	vst v63  }
0x3c: {  	_ =	swait.ge [sflag:s20], $0x4000  }
.Ltmp0:
0x3d: {  	[sflag:s20] =	ssyncset.done $0x0;
	(pc) =	sbr.rel @p0 .LBB2_2-.Ltmp0, $4  }
0x3e: {  	s25 =	sadd.s32 $0x1480, s25;
	[sflag:s20] =	ssyncadd.s32 $0xFFFFC000  }
0x3f: {  	[spmem:s2] =	stream.indirect.scatter.add.f32 [tilespmem:s18], [sflag:$0x3], $0x80, s25, s16, $0xb8;
	[tilespmem:$0x1E400] =	vst v63  }
0x40: {  	_ =	swait.ge [sflag:s14], $0x4000  }
0x41: {  	s26 =	smov.u32 s30;
	s25 =	sshra.s32 s29, $0x2;
	[sflag:s14] =	ssyncset.done $0x0  }
0x42: {  	s26 =	sadd.s32 $0x80, s25;
	[sflag:s14] =	ssyncadd.s32 $0xFFFFC000  }
0x43: {  	[tilespmem:s18], [sflag:$0x2] =	stream.indirect.gather [hbm4b:s1+s16], $0x80, s26, s16, $0xb8;
	[tilespmem:$0x1E400] =	vst v63  }
0x44: {  	_ =	swait.ge [sflag:s19], $0x4000  }
0x45: {  	[sflag:s19] =	ssyncset.done $0x0  }
0x46: {  	s29 =	sadd.s32 $0x1400, s25;
	[sflag:s19] =	ssyncadd.s32 $0xFFFFC000  }
0x47: {  	[spmem:s2] =	stream.indirect.scatter.add.f32 [tilespmem:s17], [sflag:$0x3], $0x80, s29, s16, $0xb8;
	[tilespmem:$0x1E400] =	vst v63  }
0x48: {  	_ =	swait.ge [sflag:s14], $0x4000  }
0x49: {  	[sflag:s14] =	ssyncset.done $0x0  }
0x4a: {  	s30 =	sadd.s32 $0x100, s25;
	[sflag:s14] =	ssyncadd.s32 $0xFFFFC000  }
0x4b: {  	[tilespmem:s17], [sflag:$0x1] =	stream.indirect.gather [hbm4b:s1+s16], $0x80, s30, s16, $0xb8;
	[tilespmem:$0x1E400] =	vst v63  }
0x4c: {  	_ =	swait.ge [sflag:s20], $0x4000  }
0x4d: {  	[sflag:s20] =	ssyncset.done $0x0  }
0x4e: {  	s31 =	sadd.s32 $0x1480, s25;
	[sflag:s20] =	ssyncadd.s32 $0xFFFFC000  }
0x4f: {  	[spmem:s2] =	stream.indirect.scatter.add.f32 [tilespmem:s18], [sflag:$0x3], $0x80, s31, s16, $0xb8;
	[tilespmem:$0x1E400] =	vst v63  }
0x50: {  	_ =	swait.ge [sflag:s14], $0x4000  }
0x51: {  	[sflag:s14] =	ssyncset.done $0x0  }
0x52: {  	[sflag:s14] =	ssyncadd.s32 $0xFFFFC000  }
0x53: {  	[tilespmem:s18], [sflag:$0x2] =	stream.indirect.gather [hbm4b:s1+s16], $0x80, s21, s16, $0xb8;
	[tilespmem:$0x1E400] =	vst v63  }
0x54: {  	_ =	swait.ge [sflag:s19], $0x4000  }
0x55: {  	[sflag:s19] =	ssyncset.done $0x0  }
0x56: {  	[sflag:s19] =	ssyncadd.s32 $0xFFFFC000  }
0x57: {  	[spmem:s2] =	stream.indirect.scatter.add.f32 [tilespmem:s17], [sflag:$0x3], $0x80, s22, s16, $0xb8;
	[tilespmem:$0x1E400] =	vst v63  }
0x58: {  	_ =	swait.ge [sflag:s14], $0x4000  }
0x59: {  	[sflag:s14] =	ssyncset.done $0x0  }
0x5a: {  	s26 =	simm.s32 $0x0;
	[sflag:s14] =	ssyncadd.s32 $0xFFFFC000  }
0x5b: {  	[tilespmem:s17], [sflag:$0x1] =	stream.indirect.gather [hbm4b:s1+s16], $0x80, s26, s16, $0xb8;
	[tilespmem:$0x1E400] =	vst v63  }
0x5c: {  	_ =	swait.ge [sflag:s20], $0x4000  }
0x5d: {  	[sflag:s20] =	ssyncset.done $0x0  }
0x5e: {  	[sflag:s20] =	ssyncadd.s32 $0xFFFFC000  }
0x5f: {  	[spmem:s2] =	stream.indirect.scatter.add.f32 [tilespmem:s18], [sflag:$0x3], $0x80, s23, s16, $0xb8;
	[tilespmem:$0x1E400] =	vst v63  }
0x60: {  	_ =	swait.ge [sflag:s14], $0x4000  }
0x61: {  	[sflag:s14] =	ssyncset.done $0x0  }
0x62: {  	[sflag:s14] =	ssyncadd.s32 $0xFFFFC000  }
0x63: {  	_ =	swait.ge [sflag:s19], $0x4000  }
0x64: {  	[sflag:s19] =	ssyncset.done $0x0  }
0x65: {  	[sflag:s19] =	ssyncadd.s32 $0xFFFFC000  }
0x66: {  	[tilespmem:s26], [sflag:$0x3] =	stream.linear.gather [hbm4b:s9+s26], $0x1400, $0x38;
	[tilespmem:$0x1E400] =	vst v63  }
0x67: {  	_ =	swait.ge [sflag:s14], $0x1400  }
0x68: {  	[sflag:s14] =	ssyncset.done $0x0  }
0x69: {  	[sflag:s14] =	ssyncadd.s32 $0xFFFFEC00  }
0x6a: {  	[tilespmem:s15], [sflag:$0x3] =	stream.linear.gather [hbm4b:s10+s26], $0x1400, $0x38;
	[tilespmem:$0x1E400] =	vst v63  }
0x6b: {  	_ =	swait.ge [sflag:s14], $0x1400  }
0x6c: {  	[sflag:s14] =	ssyncset.done $0x0  }
0x6d: {  	[sflag:s14] =	ssyncadd.s32 $0xFFFFEC00  }
0x6e: {  	[tilespmem:s17], [sflag:$0x1] =	stream.indirect.gather [hbm4b:s1+s16], $0x80, s26, s16, $0xb8;
	[tilespmem:$0x1E400] =	vst v63  }
0x6f: {  	s28 =	simm.s32 $0x80  }
0x70: {  	[tilespmem:s18], [sflag:$0x2] =	stream.indirect.gather [hbm4b:s1+s16], $0x80, s28, s16, $0xb8;
	[tilespmem:$0x1E400] =	vst v63  }
0x71: {  	_ =	swait.ge [sflag:s19], $0x4000  }
0x72: {  	[sflag:s19] =	ssyncset.done $0x0  }
0x73: {  	s29 =	simm.s32 $0x1400;
	[sflag:s19] =	ssyncadd.s32 $0xFFFFC000  }
0x74: {  	[spmem:s2] =	stream.indirect.scatter.add.f32 [tilespmem:s17], [sflag:$0x3], $0x80, s29, s16, $0xb8;
	[tilespmem:$0x1E400] =	vst v63  }
0x75: {  	_ =	swait.ge [sflag:s14], $0x4000  }
0x76: {  	[sflag:s14] =	ssyncset.done $0x0  }
0x77: {  	s30 =	simm.s32 $0x100;
	[sflag:s14] =	ssyncadd.s32 $0xFFFFC000  }
0x78: {  	[tilespmem:s17], [sflag:$0x1] =	stream.indirect.gather [hbm4b:s1+s16], $0x80, s30, s16, $0xb8;
	[tilespmem:$0x1E400] =	vst v63  }
0x79: {  	_ =	swait.ge [sflag:s20], $0x4000  }
0x7a: {  	[sflag:s20] =	ssyncset.done $0x0  }
0x7b: {  	s31 =	simm.s32 $0x1480;
	[sflag:s20] =	ssyncadd.s32 $0xFFFFC000  }
0x7c: {  	[spmem:s2] =	stream.indirect.scatter.add.f32 [tilespmem:s18], [sflag:$0x3], $0x80, s31, s16, $0xb8;
	[tilespmem:$0x1E400] =	vst v63  }
0x7d: {  	_ =	swait.ge [sflag:s14], $0x4000  }
0x7e: {  	s25 =	simm.s32 $0x100;
	s26 =	simm.s32 $0x800;
	[sflag:s14] =	ssyncset.done $0x0  }
.LBB2_4:
0x7f: {  	s28 =	sadd.s32 $0x80, s25  }
0x80: {  	[sflag:s14] =	ssyncadd.s32 $0xFFFFC000;
	s29 =	smov.u32 s26;
	s30 =	sadd.s32 $0x400, s26  }
0x81: {  	[tilespmem:s18], [sflag:$0x2] =	stream.indirect.gather [hbm4b:s1+s16], $0x80, s28, s16, $0xb8;
	[tilespmem:$0x1E400] =	vst v63  }
0x82: {  	p0 =	sne.s32 s26, $0x4800;
	_ =	swait.ge [sflag:s19], $0x4000  }
0x83: {  	[sflag:s19] =	ssyncset.done $0x0  }
0x84: {  	s26 =	sadd.s32 $0x1400, s25;
	[sflag:s19] =	ssyncadd.s32 $0xFFFFC000  }
0x85: {  	[spmem:s2] =	stream.indirect.scatter.add.f32 [tilespmem:s17], [sflag:$0x3], $0x80, s26, s16, $0xb8;
	[tilespmem:$0x1E400] =	vst v63  }
0x86: {  	_ =	swait.ge [sflag:s14], $0x4000  }
0x87: {  	[sflag:s14] =	ssyncset.done $0x0  }
0x88: {  	s26 =	sadd.s32 $0x100, s25;
	[sflag:s14] =	ssyncadd.s32 $0xFFFFC000  }
0x89: {  	[tilespmem:s17], [sflag:$0x1] =	stream.indirect.gather [hbm4b:s1+s16], $0x80, s26, s16, $0xb8;
	[tilespmem:$0x1E400] =	vst v63  }
0x8a: {  	_ =	swait.ge [sflag:s20], $0x4000  }
.Ltmp1:
0x8b: {  	[sflag:s20] =	ssyncset.done $0x0;
	(pc) =	sbr.rel @p0 .LBB2_4-.Ltmp1, $4  }
0x8c: {  	s25 =	sadd.s32 $0x1480, s25;
	[sflag:s20] =	ssyncadd.s32 $0xFFFFC000  }
0x8d: {  	[spmem:s2] =	stream.indirect.scatter.add.f32 [tilespmem:s18], [sflag:$0x3], $0x80, s25, s16, $0xb8;
	[tilespmem:$0x1E400] =	vst v63  }
0x8e: {  	_ =	swait.ge [sflag:s14], $0x4000  }
0x8f: {  	s26 =	smov.u32 s30;
	s25 =	sshra.s32 s29, $0x2;
	[sflag:s14] =	ssyncset.done $0x0  }
0x90: {  	s26 =	sadd.s32 $0x80, s25;
	[sflag:s14] =	ssyncadd.s32 $0xFFFFC000  }
0x91: {  	[tilespmem:s18], [sflag:$0x2] =	stream.indirect.gather [hbm4b:s1+s16], $0x80, s26, s16, $0xb8;
	[tilespmem:$0x1E400] =	vst v63  }
0x92: {  	_ =	swait.ge [sflag:s19], $0x4000  }
0x93: {  	[sflag:s19] =	ssyncset.done $0x0  }
0x94: {  	s29 =	sadd.s32 $0x1400, s25;
	[sflag:s19] =	ssyncadd.s32 $0xFFFFC000  }
0x95: {  	[spmem:s2] =	stream.indirect.scatter.add.f32 [tilespmem:s17], [sflag:$0x3], $0x80, s29, s16, $0xb8;
	[tilespmem:$0x1E400] =	vst v63  }
0x96: {  	_ =	swait.ge [sflag:s14], $0x4000  }
0x97: {  	[sflag:s14] =	ssyncset.done $0x0  }
0x98: {  	s30 =	sadd.s32 $0x100, s25;
	[sflag:s14] =	ssyncadd.s32 $0xFFFFC000  }
0x99: {  	[tilespmem:s17], [sflag:$0x1] =	stream.indirect.gather [hbm4b:s1+s16], $0x80, s30, s16, $0xb8;
	[tilespmem:$0x1E400] =	vst v63  }
0x9a: {  	_ =	swait.ge [sflag:s20], $0x4000  }
0x9b: {  	[sflag:s20] =	ssyncset.done $0x0  }
0x9c: {  	s31 =	sadd.s32 $0x1480, s25;
	[sflag:s20] =	ssyncadd.s32 $0xFFFFC000  }
0x9d: {  	[spmem:s2] =	stream.indirect.scatter.add.f32 [tilespmem:s18], [sflag:$0x3], $0x80, s31, s16, $0xb8;
	[tilespmem:$0x1E400] =	vst v63  }
0x9e: {  	_ =	swait.ge [sflag:s14], $0x4000  }
0x9f: {  	[sflag:s14] =	ssyncset.done $0x0  }
0xa0: {  	[sflag:s14] =	ssyncadd.s32 $0xFFFFC000  }
0xa1: {  	[tilespmem:s18], [sflag:$0x2] =	stream.indirect.gather [hbm4b:s1+s16], $0x80, s21, s16, $0xb8;
	[tilespmem:$0x1E400] =	vst v63  }
0xa2: {  	_ =	swait.ge [sflag:s19], $0x4000  }
0xa3: {  	[sflag:s19] =	ssyncset.done $0x0  }
0xa4: {  	[sflag:s19] =	ssyncadd.s32 $0xFFFFC000  }
0xa5: {  	[spmem:s2] =	stream.indirect.scatter.add.f32 [tilespmem:s17], [sflag:$0x3], $0x80, s22, s16, $0xb8;
	[tilespmem:$0x1E400] =	vst v63  }
0xa6: {  	_ =	swait.ge [sflag:s14], $0x4000  }
0xa7: {  	[sflag:s14] =	ssyncset.done $0x0  }
0xa8: {  	[sflag:s14] =	ssyncadd.s32 $0xFFFFC000  }
0xa9: {  	[tilespmem:s17], [sflag:$0x1] =	stream.indirect.gather [hbm4b:s1+s16], $0x80, s4, s16, $0xb8;
	[tilespmem:$0x1E400] =	vst v63  }
0xaa: {  	_ =	swait.ge [sflag:s20], $0x4000  }
0xab: {  	[sflag:s20] =	ssyncset.done $0x0  }
0xac: {  	[sflag:s20] =	ssyncadd.s32 $0xFFFFC000  }
0xad: {  	[spmem:s2] =	stream.indirect.scatter.add.f32 [tilespmem:s18], [sflag:$0x3], $0x80, s23, s16, $0xb8;
	[tilespmem:$0x1E400] =	vst v63  }
0xae: {  	_ =	swait.ge [sflag:s14], $0x4000  }
0xaf: {  	[sflag:s14] =	ssyncset.done $0x0  }
0xb0: {  	[sflag:s14] =	ssyncadd.s32 $0xFFFFC000  }
0xb1: {  	_ =	swait.ge [sflag:s19], $0x4000  }
0xb2: {  	s24 =	sadd.s32 $0x1, s24;
	[sflag:s19] =	ssyncset.done $0x0  }
0xb3: {  	p0 =	sne.s32 s24, s12;
	[sflag:s19] =	ssyncadd.s32 $0xFFFFC000  }
.Ltmp2:
0xb4: {  	[bflag:$0x0] =	sbarrier.arrive $0xFFFF;
	(pc) =	sbr.rel @p0 .LBB2_1-.Ltmp2, $4  }
0xb5: {  	[hbm:s11], [sflag:s6] =	dma.local [spmem:s13], $0x2780  }
0xb6: {  	_ =	swait.ge [sflag:s14], $0x2780  }
0xb7: {  	[sflag:s14] =	ssyncset.done $0x0  }
0xb8: {  	[sflag:s14] =	ssyncadd.s32 $0xFFFFD880  }
0xb9: {  	_ =	sfence.sel $0x180000  }
0xba: {  	[bflag:$0x0] =	sbarrier.arrive $0xFFFF  }
0xbb: {  	p0 =	sne.s32 s3, $0x0;
	_ =	strace $0x9000004A  }
0xbc: {  	s0 =	sadd.s32 @!p0 $0x100000, s0;
	[bflag:$0x2] =	sbarrier.arrive $0xFFFF  }
0xbd: {  	[sflag:s0] =	ssyncadd.tile.s32 @!p0 $0x1;
	_ =	shalt  }
.Lfunc_end2:
_tile_overlayer_lowered:
.L_overlay_start_2:
0xbe: {  	(tag) =	ssettag $0x2  }
0xbf: {  	s0 =	rddreg [dreg:$0x0];
	s2 =	stileid.u32  }
0xc0: {  	s1 =	rddreg [dreg:$0x1];
	p0 =	sne.s32 s2, $0x0  }
0xc1: {  	s3 =	rddreg [dreg:$0x2];
	[bflag:$0x3] =	sbarrier.arrive $0xFFFF;
	s2 =	simm.s32 @!p0 $0x1C03  }
0xc2: {  	[timem:s3], [sflag:s2] =	dma.local @!p0 [hbm:s0], s1  }
0xc3: {  	s0 =	simm.s32 @!p0 $0x3  }
0xc4: {  	_ =	swait.ge @!p0 [sflag:s0], s1  }
0xc5: {  	s1 =	ssub.s32 @!p0 $0x0, s1;
	[sflag:s0] =	ssyncset.done @!p0 $0x0  }
0xc6: {  	[sflag:s0] =	ssyncadd.s32 @!p0 s1  }
0xc7: {  	[bflag:$0x3] =	sbarrier.arrive $0xFFFF  }
0xc8: {  	_ =	shalt  }

// kernel: kernel.15.cloned.1.call-start
scs
__scs_entry_jumppad:
0x0: {  	(pc) =	sbr.rel $0x88, $3  }
0x1: {  	(tag) =	ssettag $0x0;
	lr =	simm.s32 $0x1  }
0x2: {  	[smem:$0x3F97] =	sst lr;
	_ =	strace $0xD0000000  }
0x3: {  	_ = 	snop  }
0x4: {  	_ = 	snop  }
0x5: {  	_ = 	snop  }
0x6: {  	_ = 	snop  }
0x7: {  	_ = 	snop  }
__scs_overlays_trampoline_lowered:
0x8: {  	[smem:$0x3FA6] =	sst s0  }
0x9: {  	[smem:$0x3FA7] =	sst s1  }
0xa: {  	[smem:$0x3FA8] =	sst s2  }
0xb: {  	[smem:$0x3FA9] =	sst s3  }
0xc: {  	[smem:$0x3FAA] =	sst s4  }
0xd: {  	[smem:$0x3FAB] =	sst s5  }
0xe: {  	[smem:$0x3FAC] =	sst s6  }
0xf: {  	[smem:$0x3FAD] =	sst s7  }
0x10: {  	[smem:$0x3FAE] =	sst s8  }
0x11: {  	[smem:$0x3FAF] =	sst s9;
	s0 =	simm.s32 @!p0 $0x0  }
0x12: {  	s1 =	sld [smem:$0x3F95];
	s0 =	simm.s32 @p0 $0x1  }
0x13: {  	[smem:$0x3FB0] =	sst s0;
	s0 =	simm.s32 @!p1 $0x0  }
0x14: {  	s2 =	sld [smem:$0x3F94];
	s0 =	simm.s32 @p1 $0x1  }
0x15: {  	[smem:$0x3FB1] =	sst s0;
	s0 =	simm.s32 @!p2 $0x0  }
0x16: {  	s3 =	sld [smem:$0x3FDB];
	s0 =	simm.s32 @p2 $0x1  }
0x17: {  	s4 =	simm.s32 $0x1BF5;
	[smem:$0x3FB3] =	sst s0  }
0x18: {  	s0 =	sld [smem:$0x3F96];
	_ =	swait.ge [sflag:s4], $0x0  }
0x19: {  	s7 =	sld [smem:$0x3F97]  }
0x1a: {  	s8 =	sadd.s32 $0xFFFFE003, lr  }
0x1b: {  	s9 =	sadd.s32 $0xFFFFFEF7, lr;
	s5 =	simm.s32 $0xFFFFFFFF;
	p2 =	slt.u32 s8, $0xFFFFF086  }
0x1c: {  	p1 =	slt.u32 s9, $0xF7A;
	s5 =	simm.s32 @!p2 $0x0  }
0x1d: {  	s5 =	simm.s32 @p1 $0x1;
	p0 =	seq.s32 s7, s2  }
0x1e: {  	s7 =	smul.u32 @!p0 $0xF7A, s2;
	p2 =	seq.s32 @!p0 s5, $0x0  }
0x1f: {  	s9 =	smul.u32 $0xF7A, s1;
	s8 =	simm.s32 @!p0 $0x1BF5;
	p2 =	por !p2, p0  }
0x20: {  	[sflag:s8] =	ssyncset.s32 @!p0 $0xFFFFF086;
	s6 =	sadd.s32 @!p0 s3, s7;
	s7 =	simm.s32 @!p0 $0x108  }
0x21: {  	s3 =	sadd.s32 s3, s9;
	s6 =	sadd.s32 @!p0 $0x88, s6;
	s7 =	simm.s32 @p2 $0x1082  }
0x22: {  	[simem:s7], [sflag:s8] =	dma.local @!p0 [hbm:s6], $0xF7A  }
0x23: {  	s9 =	sor.u32 $0xD0000000, s2;
	s6 =	simm.s32 $0x108;
	_ =	swait.ge @!p0 [sflag:s8], $0x0  }
0x24: {  	s3 =	sadd.s32 $0x88, s3;
	s6 =	simm.s32 @!p1 $0x1082;
	[sflag:s4] =	ssyncset.s32 $0xFFFFF086  }
0x25: {  	[simem:s6], [sflag:s4] =	dma.local [hbm:s3], $0xF7A  }
0x26: {  	[smem:$0x3F97] =	sst s1;
	(tag) =	ssettag s2;
	_ =	strace s9  }
0x27: {  	s1 =	sld [smem:$0x3FA7]  }
0x28: {  	s2 =	sld [smem:$0x3FA8]  }
0x29: {  	s4 =	sld [smem:$0x3FAA]  }
0x2a: {  	p0 =	seq.s32 s5, $0x0;
	s5 =	sld [smem:$0x3FAB]  }
0x2b: {  	s6 =	sld [smem:$0x3FAC]  }
0x2c: {  	s7 =	sld [smem:$0x3FAD]  }
0x2d: {  	s3 =	simm.s32 $0x108;
	s8 =	sld [smem:$0x3FAE]  }
0x2e: {  	s3 =	simm.s32 @!p0 $0x1082;
	s9 =	sld [smem:$0x3FAF]  }
0x2f: {  	lr =	sadd.s32 s0, s3;
	s0 =	sld [smem:$0x3FA6]  }
0x30: {  	s3 =	sld [smem:$0x3FA9]  }
0x31: {  	[smem:$0x3FB2] =	sst s10  }
0x32: {  	s10 =	sld [smem:$0x3FB0];
	_ =	sdelay $0x3  }
0x33: {  	p0 =	seq.s32 s10, $0x1;
	s10 =	sld [smem:$0x3FB2];
	_ =	sdelay $0x3  }
0x34: {  	[smem:$0x3FB2] =	sst s10  }
0x35: {  	s10 =	sld [smem:$0x3FB1];
	_ =	sdelay $0x3  }
0x36: {  	p1 =	seq.s32 s10, $0x1;
	s10 =	sld [smem:$0x3FB2];
	_ =	sdelay $0x3  }
0x37: {  	[smem:$0x3FB2] =	sst s10  }
0x38: {  	s10 =	sld [smem:$0x3FB3]  }
0x39: {  	_ = 	snop;
	(pc) =	sbr.ind lr, $3  }
0x3a: {  	_ = 	snop  }
0x3b: {  	_ = 	snop  }
0x3c: {  	p2 =	seq.s32 s10, $0x1;
	s10 =	sld [smem:$0x3FB2]  }
0x3d: {  	_ =	shalt  }
0x3e: {  	_ =	shalt  }
0x3f: {  	_ =	shalt  }
0x40: {  	_ =	shalt  }
0x41: {  	_ =	shalt  }
0x42: {  	_ =	shalt  }
0x43: {  	_ =	shalt  }
0x44: {  	_ =	shalt  }
0x45: {  	_ =	shalt  }
0x46: {  	_ =	shalt  }
0x47: {  	_ =	shalt  }
0x48: {  	_ =	shalt  }
0x49: {  	_ =	shalt  }
0x4a: {  	_ =	shalt  }
0x4b: {  	_ =	shalt  }
0x4c: {  	_ =	shalt  }
0x4d: {  	_ =	shalt  }
0x4e: {  	_ =	shalt  }
0x4f: {  	_ =	shalt  }
0x50: {  	_ =	shalt  }
0x51: {  	_ =	shalt  }
0x52: {  	_ =	shalt  }
0x53: {  	_ =	shalt  }
0x54: {  	_ =	shalt  }
0x55: {  	_ =	shalt  }
0x56: {  	_ =	shalt  }
0x57: {  	_ =	shalt  }
0x58: {  	_ =	shalt  }
0x59: {  	_ =	shalt  }
0x5a: {  	_ =	shalt  }
0x5b: {  	_ =	shalt  }
0x5c: {  	_ =	shalt  }
0x5d: {  	_ =	shalt  }
0x5e: {  	_ =	shalt  }
0x5f: {  	_ =	shalt  }
0x60: {  	_ =	shalt  }
0x61: {  	_ =	shalt  }
0x62: {  	_ =	shalt  }
0x63: {  	_ =	shalt  }
0x64: {  	_ =	shalt  }
0x65: {  	_ =	shalt  }
0x66: {  	_ =	shalt  }
0x67: {  	_ =	shalt  }
0x68: {  	_ =	shalt  }
0x69: {  	_ =	shalt  }
0x6a: {  	_ =	shalt  }
0x6b: {  	_ =	shalt  }
0x6c: {  	_ =	shalt  }
0x6d: {  	_ =	shalt  }
0x6e: {  	_ =	shalt  }
0x6f: {  	_ =	shalt  }
0x70: {  	_ =	shalt  }
0x71: {  	_ =	shalt  }
0x72: {  	_ =	shalt  }
0x73: {  	_ =	shalt  }
0x74: {  	_ =	shalt  }
0x75: {  	_ =	shalt  }
0x76: {  	_ =	shalt  }
0x77: {  	_ =	shalt  }
0x78: {  	_ =	shalt  }
0x79: {  	_ =	shalt  }
0x7a: {  	_ =	shalt  }
0x7b: {  	_ =	shalt  }
0x7c: {  	_ =	shalt  }
0x7d: {  	_ =	shalt  }
0x7e: {  	_ =	shalt  }
0x7f: {  	_ =	shalt  }
0x80: {  	_ =	shalt  }
0x81: {  	_ =	shalt  }
0x82: {  	_ =	shalt  }
0x83: {  	_ =	shalt  }
0x84: {  	_ =	shalt  }
0x85: {  	_ =	shalt  }
0x86: {  	_ =	shalt  }
0x87: {  	_ =	shalt  }
.Lfunc_end0:
.L_simem_size_0:
called_computation.2_lowered:
.L_overlay_start_0:
0x88: {  	s2 =	sld [smem:$0x3FD9]  }
0x89: {  	s3 =	sld [smem:$0x3FFE];
	_ =	sdelay $0x1  }
0x8a: {  	s1 =	srdreg.scid  }
0x8b: {  	s0 =	sand.u32 $0x1, s1  }
0x8c: {  	s17 =	sshll.u32 s0, $0xA;
	s2 =	sadd.s32 s3, s2  }
0x8d: {  	s2 =	sadd.s32 s2, s17  }
0x8e: {  	[smem:$0x3FBE] =	sst s2  }
0x8f: {  	_ = 	snop  }
0x90: {  	s2 =	sld [smem:$0x3FD0];
	(tm) =	ssettm $0x1  }
0x91: {  	s18 =	sld [smem:$0x3FFB];
	_ =	sdelay $0x3  }
0x92: {  	_ =	strace s18  }
0x93: {  	s3 =	sld [smem:$0x3FFC];
	_ =	sdelay $0x3  }
0x94: {  	_ =	strace s3  }
0x95: {  	s3 =	sld [smem:$0x3FFD];
	_ =	sdelay $0x3  }
0x96: {  	_ =	strace s3  }
0x97: {  	_ =	strace $0x8FFFFFFF  }
0x98: {  	s19 =	sld [smem:$0x3FDB];
	_ =	sdelay $0x1  }
0x99: {  	s4 =	simm.s32 $_scs_section_size  }
0x9a: {  	s5 =	simm.s32 $_size__tile_overlayer_lowered;
	s6 =	simm.s32 $_tile_overlayer_lowered  }
0x9b: {  	s22 =	simm.s32 $0x1BFF;
	s21 =	sshll.u32 s6, $0x1;
	s3 =	sadd.s32 s4, s19  }
0x9c: {  	s7 =	simm.s32 $0x0;
	s20 =	sshll.u32 s5, $0x1;
	s5 =	sadd.s32 s21, s3  }
0x9d: {  	[timem:s7], [sflag:s22] =	dma.local [hbm:s5], s20  }
0x9e: {  	_ =	swait.ge [sflag:s22], s20  }
0x9f: {  	s4 =	ssub.s32 $0x0, s20;
	[sflag:s22] =	ssyncset.done $0x0  }
0xa0: {  	[sflag:s22] =	ssyncadd.s32 s4;
	_ =	sdelay $0x1  }
0xa1: {  	s23 =	simm.s32 $0x1B8B  }
0xa2: {  	_ =	swait.ge [sflag:s23], $0x1  }
0xa3: {  	[sflag:s23] =	ssyncset.done $0x0  }
0xa4: {  	s25 =	simm.s32 $0x1B8E;
	s24 =	sld [smem:$0x3FFE];
	[sflag:s23] =	ssyncadd.s32 $0xFFFFFFFF  }
0xa5: {  	s26 =	simm.s32 $execute0_lowered;
	[smem:$0x3FD2] =	sst s25  }
0xa6: {  	s5 =	sshll.u32 s26, $0x1;
	_ =	strace $0x8000004C;
	[dreg:$0x1] =	wrdreg $0xFFFFFFFF  }
0xa7: {  	s28 =	simm.s32 $_size_execute0_lowered;
	s3 =	sadd.s32 s3, s5;
	[dreg:$0x0] =	wrdreg $0x0  }
0xa8: {  	s5 =	sshll.u32 s28, $0x1;
	[dreg:$0x2] =	wrdreg s3  }
0xa9: {  	[dreg:$0x3] =	wrdreg s5  }
0xaa: {  	[dreg:$0x4] =	wrdreg $0xC0  }
0xab: {  	_ =	task [dreg:s7], $0x5FFFF  }
0xac: {  	[dreg:$0x1] =	wrdreg $0xFFFFFFFF  }
0xad: {  	[dreg:$0x0] =	wrdreg $0x60  }
0xae: {  	[dreg:$0x2] =	wrdreg s2  }
0xaf: {  	[dreg:$0x3] =	wrdreg s24  }
0xb0: {  	[dreg:$0x4] =	wrdreg $0xA8000  }
0xb1: {  	[dreg:$0x5] =	wrdreg $0x9  }
0xb2: {  	_ =	task.clear_ibuf [dreg:s7], $0x6FFFF;
	_ =	strace $0x9000004C  }
0xb3: {  	s29 =	simm.s32 $0x9;
	_ =	strace $0x8000004E  }
0xb4: {  	_ =	swait.ge [sflag:s29], $0x1  }
0xb5: {  	[sflag:s29] =	ssyncadd.s32 $0xFFFFFFFF  }
0xb6: {  	_ =	strace $0x9000004E  }
0xb7: {  	_ =	sfence  }
0xb8: {  	s30 =	sld [smem:$0x0];
	_ =	sdelay $0x2  }
0xb9: {  	s31 =	sshll.u32 s1, $0xD;
	s1 =	sshrl.u32 s1, $0x2  }
0xba: {  	s3 =	sand.u32 $0x4000, s31;
	s1 =	sadd.s32 s1, s30  }
0xbb: {  	s0 =	sor.u32 s3, s0;
	s1 =	sshll.u32 s1, $0x11  }
0xbc: {  	s0 =	sor.u32 s1, s0  }
0xbd: {  	s0 =	sadd.s32 $0x8F2B, s0  }
0xbe: {  	[sflag:s0] =	ssyncadd.remote.s32 $0x1  }
0xbf: {  	_ =	sfence.sel $0xFFFF  }
0xc0: {  	[dreg:$0x0] =	wrdreg $0xFFFFFFFF;
	(pc) =	sbr.abs _section_cstart, $3  }
0xc1: {  	[dreg:$0x1] =	wrdreg $0xFFFFFFFF  }
0xc2: {  	_ =	task.clear_ibuf [dreg:s7], $0x2FFFF;
	_ =	strace $0x9FFFFFFF  }
0xc3: {  	(tm) =	ssettm $0x7FFFFFFF  }
tec
execute0_lowered:
.L_overlay_start_1:
0x0: {  	(tag) =	ssettag $0x1  }
0x1: {  	s1 =	rddreg [dreg:$0x0]  }
0x2: {  	s6 =	rddreg [dreg:$0x1]  }
0x3: {  	s2 =	rddreg [dreg:$0x2];
	s3 =	srdreg.scid  }
0x4: {  	s0 =	rddreg [dreg:$0x3];
	s4 =	simm.s32 $0x0;
	s15 =	simm.s32 $0x1400  }
0x5: {  	s16 =	simm.s32 $0x80;
	s17 =	simm.s32 $0x2800;
	s18 =	simm.s32 $0x6800  }
0x6: {  	s19 =	simm.s32 $0x1;
	s20 =	simm.s32 $0x2;
	s21 =	simm.s32 $0x1380  }
0x7: {  	s22 =	simm.s32 $0x2700;
	s5 =	sand.u32 $0x1, s3;
	s3 =	stileid.u32  }
0x8: {  	s23 =	simm.s32 $0x2780;
	[smem:$0x7FF] =	sst s4;
	s7 =	smul.u32 $0x13C000, s5  }
0x9: {  	s9 =	sadd.s32 $0x3200, s6;
	s10 =	sadd.s32 $0xD200, s6;
	s8 =	smul.u32 $0x13C00, s3  }
0xa: {  	_ =	strace $0x8000004D;
	s24 =	sshll.u32 s3, $0x1;
	s11 =	ssub.s32 $0x2, s5  }
0xb: {  	s25 =	smul.u32 $0x4F000, s3;
	s28 =	sshll.u32 s3, $0x6;
	s5 =	sor.u32 s5, s24  }
0xc: {  	s12 =	sshrl.u32 s11, $0x1;
	s24 =	simm.s32 $0x0;
	s7 =	sadd.s32 s8, s7  }
0xd: {  	s13 =	smul.u32 $0x2800, s5;
	s5 =	sadd.s32 $0x17200, s6;
	s26 =	sshrl.u32 s25, $0x2  }
0xe: {  	s12 =	ssub.s32 s11, s12;
	s7 =	sshrl.u32 s7, $0x3;
	s30 =	sadd.s32 s26, s2  }
0xf: {  	s12 =	smax.u32 s12, $0x1;
	s14 =	sadd.s32 s7, s6;
	s29 =	sshrl.u32 s13, $0x3  }
0x10: {  	s6 =	sor.u32 $0x1C03, s28;
	s13 =	sshrl.u32 s30, $0x3;
	s31 =	sadd.s32 $0x280, s29  }
0x11: {  	s7 =	sadd.s32 s9, s29;
	s8 =	sadd.s32 s10, s29;
	s11 =	sadd.s32 $0x19A00, s14  }
0x12: {  	s14 =	simm.s32 $0x3;
	s9 =	sadd.s32 s9, s31;
	s10 =	sadd.s32 s10, s31  }
.LBB2_1:
0x13: {  	[spmem:s13], [sflag:s6] =	dma.local [hbm:s5], $0x2780  }
0x14: {  	_ =	swait.ge [sflag:s14], $0x2780  }
0x15: {  	[sflag:s14] =	ssyncset.done $0x0  }
0x16: {  	[sflag:s14] =	ssyncadd.s32 $0xFFFFD880  }
0x17: {  	[bflag:$0x0] =	sbarrier.arrive $0xFFFF  }
0x18: {  	[tilespmem:s4], [sflag:$0x3] =	stream.linear.gather [hbm4b:s7+s4], $0x1400, $0x38;
	[tilespmem:$0x1E400] =	vst v63  }
0x19: {  	_ =	swait.ge [sflag:s14], $0x1400  }
0x1a: {  	[sflag:s14] =	ssyncset.done $0x0  }
0x1b: {  	[sflag:s14] =	ssyncadd.s32 $0xFFFFEC00  }
0x1c: {  	[tilespmem:s15], [sflag:$0x3] =	stream.linear.gather [hbm4b:s8+s4], $0x1400, $0x38;
	[tilespmem:$0x1E400] =	vst v63  }
0x1d: {  	_ =	swait.ge [sflag:s14], $0x1400  }
0x1e: {  	[sflag:s14] =	ssyncset.done $0x0  }
0x1f: {  	[sflag:s14] =	ssyncadd.s32 $0xFFFFEC00  }
0x20: {  	[tilespmem:s17], [sflag:$0x1] =	stream.indirect.gather [hbm4b:s1+s16], $0x80, s4, s16, $0xb8;
	[tilespmem:$0x1E400] =	vst v63  }
0x21: {  	s25 =	simm.s32 $0x80  }
0x22: {  	[tilespmem:s18], [sflag:$0x2] =	stream.indirect.gather [hbm4b:s1+s16], $0x80, s25, s16, $0xb8;
	[tilespmem:$0x1E400] =	vst v63  }
0x23: {  	_ =	swait.ge [sflag:s19], $0x4000  }
0x24: {  	[sflag:s19] =	ssyncset.done $0x0  }
0x25: {  	s29 =	simm.s32 $0x1400;
	[sflag:s19] =	ssyncadd.s32 $0xFFFFC000  }
0x26: {  	[spmem:s2] =	stream.indirect.scatter.add.f32 [tilespmem:s17], [sflag:$0x3], $0x80, s29, s16, $0xb8;
	[tilespmem:$0x1E400] =	vst v63  }
0x27: {  	_ =	swait.ge [sflag:s14], $0x4000  }
0x28: {  	[sflag:s14] =	ssyncset.done $0x0  }
0x29: {  	s30 =	simm.s32 $0x100;
	[sflag:s14] =	ssyncadd.s32 $0xFFFFC000  }
0x2a: {  	[tilespmem:s17], [sflag:$0x1] =	stream.indirect.gather [hbm4b:s1+s16], $0x80, s30, s16, $0xb8;
	[tilespmem:$0x1E400] =	vst v63  }
0x2b: {  	_ =	swait.ge [sflag:s20], $0x4000  }
0x2c: {  	[sflag:s20] =	ssyncset.done $0x0  }
0x2d: {  	s31 =	simm.s32 $0x1480;
	[sflag:s20] =	ssyncadd.s32 $0xFFFFC000  }
0x2e: {  	[spmem:s2] =	stream.indirect.scatter.add.f32 [tilespmem:s18], [sflag:$0x3], $0x80, s31, s16, $0xb8;
	[tilespmem:$0x1E400] =	vst v63  }
0x2f: {  	_ =	swait.ge [sflag:s14], $0x4000  }
0x30: {  	s26 =	simm.s32 $0x800;
	s25 =	simm.s32 $0x100;
	[sflag:s14] =	ssyncset.done $0x0  }
.LBB2_2:
0x31: {  	s28 =	sadd.s32 $0x80, s25  }
0x32: {  	[sflag:s14] =	ssyncadd.s32 $0xFFFFC000;
	s29 =	smov.u32 s26;
	s30 =	sadd.s32 $0x400, s26  }
0x33: {  	[tilespmem:s18], [sflag:$0x2] =	stream.indirect.gather [hbm4b:s1+s16], $0x80, s28, s16, $0xb8;
	[tilespmem:$0x1E400] =	vst v63  }
0x34: {  	p0 =	sne.s32 s26, $0x4800;
	_ =	swait.ge [sflag:s19], $0x4000  }
0x35: {  	[sflag:s19] =	ssyncset.done $0x0  }
0x36: {  	s26 =	sadd.s32 $0x1400, s25;
	[sflag:s19] =	ssyncadd.s32 $0xFFFFC000  }
0x37: {  	[spmem:s2] =	stream.indirect.scatter.add.f32 [tilespmem:s17], [sflag:$0x3], $0x80, s26, s16, $0xb8;
	[tilespmem:$0x1E400] =	vst v63  }
0x38: {  	_ =	swait.ge [sflag:s14], $0x4000  }
0x39: {  	[sflag:s14] =	ssyncset.done $0x0  }
0x3a: {  	s26 =	sadd.s32 $0x100, s25;
	[sflag:s14] =	ssyncadd.s32 $0xFFFFC000  }
0x3b: {  	[tilespmem:s17], [sflag:$0x1] =	stream.indirect.gather [hbm4b:s1+s16], $0x80, s26, s16, $0xb8;
	[tilespmem:$0x1E400] =	vst v63  }
0x3c: {  	_ =	swait.ge [sflag:s20], $0x4000  }
.Ltmp0:
0x3d: {  	[sflag:s20] =	ssyncset.done $0x0;
	(pc) =	sbr.rel @p0 .LBB2_2-.Ltmp0, $4  }
0x3e: {  	s25 =	sadd.s32 $0x1480, s25;
	[sflag:s20] =	ssyncadd.s32 $0xFFFFC000  }
0x3f: {  	[spmem:s2] =	stream.indirect.scatter.add.f32 [tilespmem:s18], [sflag:$0x3], $0x80, s25, s16, $0xb8;
	[tilespmem:$0x1E400] =	vst v63  }
0x40: {  	_ =	swait.ge [sflag:s14], $0x4000  }
0x41: {  	s26 =	smov.u32 s30;
	s25 =	sshra.s32 s29, $0x2;
	[sflag:s14] =	ssyncset.done $0x0  }
0x42: {  	s26 =	sadd.s32 $0x80, s25;
	[sflag:s14] =	ssyncadd.s32 $0xFFFFC000  }
0x43: {  	[tilespmem:s18], [sflag:$0x2] =	stream.indirect.gather [hbm4b:s1+s16], $0x80, s26, s16, $0xb8;
	[tilespmem:$0x1E400] =	vst v63  }
0x44: {  	_ =	swait.ge [sflag:s19], $0x4000  }
0x45: {  	[sflag:s19] =	ssyncset.done $0x0  }
0x46: {  	s29 =	sadd.s32 $0x1400, s25;
	[sflag:s19] =	ssyncadd.s32 $0xFFFFC000  }
0x47: {  	[spmem:s2] =	stream.indirect.scatter.add.f32 [tilespmem:s17], [sflag:$0x3], $0x80, s29, s16, $0xb8;
	[tilespmem:$0x1E400] =	vst v63  }
0x48: {  	_ =	swait.ge [sflag:s14], $0x4000  }
0x49: {  	[sflag:s14] =	ssyncset.done $0x0  }
0x4a: {  	s30 =	sadd.s32 $0x100, s25;
	[sflag:s14] =	ssyncadd.s32 $0xFFFFC000  }
0x4b: {  	[tilespmem:s17], [sflag:$0x1] =	stream.indirect.gather [hbm4b:s1+s16], $0x80, s30, s16, $0xb8;
	[tilespmem:$0x1E400] =	vst v63  }
0x4c: {  	_ =	swait.ge [sflag:s20], $0x4000  }
0x4d: {  	[sflag:s20] =	ssyncset.done $0x0  }
0x4e: {  	s31 =	sadd.s32 $0x1480, s25;
	[sflag:s20] =	ssyncadd.s32 $0xFFFFC000  }
0x4f: {  	[spmem:s2] =	stream.indirect.scatter.add.f32 [tilespmem:s18], [sflag:$0x3], $0x80, s31, s16, $0xb8;
	[tilespmem:$0x1E400] =	vst v63  }
0x50: {  	_ =	swait.ge [sflag:s14], $0x4000  }
0x51: {  	[sflag:s14] =	ssyncset.done $0x0  }
0x52: {  	[sflag:s14] =	ssyncadd.s32 $0xFFFFC000  }
0x53: {  	[tilespmem:s18], [sflag:$0x2] =	stream.indirect.gather [hbm4b:s1+s16], $0x80, s21, s16, $0xb8;
	[tilespmem:$0x1E400] =	vst v63  }
0x54: {  	_ =	swait.ge [sflag:s19], $0x4000  }
0x55: {  	[sflag:s19] =	ssyncset.done $0x0  }
0x56: {  	[sflag:s19] =	ssyncadd.s32 $0xFFFFC000  }
0x57: {  	[spmem:s2] =	stream.indirect.scatter.add.f32 [tilespmem:s17], [sflag:$0x3], $0x80, s22, s16, $0xb8;
	[tilespmem:$0x1E400] =	vst v63  }
0x58: {  	_ =	swait.ge [sflag:s14], $0x4000  }
0x59: {  	[sflag:s14] =	ssyncset.done $0x0  }
0x5a: {  	s26 =	simm.s32 $0x0;
	[sflag:s14] =	ssyncadd.s32 $0xFFFFC000  }
0x5b: {  	[tilespmem:s17], [sflag:$0x1] =	stream.indirect.gather [hbm4b:s1+s16], $0x80, s26, s16, $0xb8;
	[tilespmem:$0x1E400] =	vst v63  }
0x5c: {  	_ =	swait.ge [sflag:s20], $0x4000  }
0x5d: {  	[sflag:s20] =	ssyncset.done $0x0  }
0x5e: {  	[sflag:s20] =	ssyncadd.s32 $0xFFFFC000  }
0x5f: {  	[spmem:s2] =	stream.indirect.scatter.add.f32 [tilespmem:s18], [sflag:$0x3], $0x80, s23, s16, $0xb8;
	[tilespmem:$0x1E400] =	vst v63  }
0x60: {  	_ =	swait.ge [sflag:s14], $0x4000  }
0x61: {  	[sflag:s14] =	ssyncset.done $0x0  }
0x62: {  	[sflag:s14] =	ssyncadd.s32 $0xFFFFC000  }
0x63: {  	_ =	swait.ge [sflag:s19], $0x4000  }
0x64: {  	[sflag:s19] =	ssyncset.done $0x0  }
0x65: {  	[sflag:s19] =	ssyncadd.s32 $0xFFFFC000  }
0x66: {  	[tilespmem:s26], [sflag:$0x3] =	stream.linear.gather [hbm4b:s9+s26], $0x1400, $0x38;
	[tilespmem:$0x1E400] =	vst v63  }
0x67: {  	_ =	swait.ge [sflag:s14], $0x1400  }
0x68: {  	[sflag:s14] =	ssyncset.done $0x0  }
0x69: {  	[sflag:s14] =	ssyncadd.s32 $0xFFFFEC00  }
0x6a: {  	[tilespmem:s15], [sflag:$0x3] =	stream.linear.gather [hbm4b:s10+s26], $0x1400, $0x38;
	[tilespmem:$0x1E400] =	vst v63  }
0x6b: {  	_ =	swait.ge [sflag:s14], $0x1400  }
0x6c: {  	[sflag:s14] =	ssyncset.done $0x0  }
0x6d: {  	[sflag:s14] =	ssyncadd.s32 $0xFFFFEC00  }
0x6e: {  	[tilespmem:s17], [sflag:$0x1] =	stream.indirect.gather [hbm4b:s1+s16], $0x80, s26, s16, $0xb8;
	[tilespmem:$0x1E400] =	vst v63  }
0x6f: {  	s28 =	simm.s32 $0x80  }
0x70: {  	[tilespmem:s18], [sflag:$0x2] =	stream.indirect.gather [hbm4b:s1+s16], $0x80, s28, s16, $0xb8;
	[tilespmem:$0x1E400] =	vst v63  }
0x71: {  	_ =	swait.ge [sflag:s19], $0x4000  }
0x72: {  	[sflag:s19] =	ssyncset.done $0x0  }
0x73: {  	s29 =	simm.s32 $0x1400;
	[sflag:s19] =	ssyncadd.s32 $0xFFFFC000  }
0x74: {  	[spmem:s2] =	stream.indirect.scatter.add.f32 [tilespmem:s17], [sflag:$0x3], $0x80, s29, s16, $0xb8;
	[tilespmem:$0x1E400] =	vst v63  }
0x75: {  	_ =	swait.ge [sflag:s14], $0x4000  }
0x76: {  	[sflag:s14] =	ssyncset.done $0x0  }
0x77: {  	s30 =	simm.s32 $0x100;
	[sflag:s14] =	ssyncadd.s32 $0xFFFFC000  }
0x78: {  	[tilespmem:s17], [sflag:$0x1] =	stream.indirect.gather [hbm4b:s1+s16], $0x80, s30, s16, $0xb8;
	[tilespmem:$0x1E400] =	vst v63  }
0x79: {  	_ =	swait.ge [sflag:s20], $0x4000  }
0x7a: {  	[sflag:s20] =	ssyncset.done $0x0  }
0x7b: {  	s31 =	simm.s32 $0x1480;
	[sflag:s20] =	ssyncadd.s32 $0xFFFFC000  }
0x7c: {  	[spmem:s2] =	stream.indirect.scatter.add.f32 [tilespmem:s18], [sflag:$0x3], $0x80, s31, s16, $0xb8;
	[tilespmem:$0x1E400] =	vst v63  }
0x7d: {  	_ =	swait.ge [sflag:s14], $0x4000  }
0x7e: {  	s25 =	simm.s32 $0x100;
	s26 =	simm.s32 $0x800;
	[sflag:s14] =	ssyncset.done $0x0  }
.LBB2_4:
0x7f: {  	s28 =	sadd.s32 $0x80, s25  }
0x80: {  	[sflag:s14] =	ssyncadd.s32 $0xFFFFC000;
	s29 =	smov.u32 s26;
	s30 =	sadd.s32 $0x400, s26  }
0x81: {  	[tilespmem:s18], [sflag:$0x2] =	stream.indirect.gather [hbm4b:s1+s16], $0x80, s28, s16, $0xb8;
	[tilespmem:$0x1E400] =	vst v63  }
0x82: {  	p0 =	sne.s32 s26, $0x4800;
	_ =	swait.ge [sflag:s19], $0x4000  }
0x83: {  	[sflag:s19] =	ssyncset.done $0x0  }
0x84: {  	s26 =	sadd.s32 $0x1400, s25;
	[sflag:s19] =	ssyncadd.s32 $0xFFFFC000  }
0x85: {  	[spmem:s2] =	stream.indirect.scatter.add.f32 [tilespmem:s17], [sflag:$0x3], $0x80, s26, s16, $0xb8;
	[tilespmem:$0x1E400] =	vst v63  }
0x86: {  	_ =	swait.ge [sflag:s14], $0x4000  }
0x87: {  	[sflag:s14] =	ssyncset.done $0x0  }
0x88: {  	s26 =	sadd.s32 $0x100, s25;
	[sflag:s14] =	ssyncadd.s32 $0xFFFFC000  }
0x89: {  	[tilespmem:s17], [sflag:$0x1] =	stream.indirect.gather [hbm4b:s1+s16], $0x80, s26, s16, $0xb8;
	[tilespmem:$0x1E400] =	vst v63  }
0x8a: {  	_ =	swait.ge [sflag:s20], $0x4000  }
.Ltmp1:
0x8b: {  	[sflag:s20] =	ssyncset.done $0x0;
	(pc) =	sbr.rel @p0 .LBB2_4-.Ltmp1, $4  }
0x8c: {  	s25 =	sadd.s32 $0x1480, s25;
	[sflag:s20] =	ssyncadd.s32 $0xFFFFC000  }
0x8d: {  	[spmem:s2] =	stream.indirect.scatter.add.f32 [tilespmem:s18], [sflag:$0x3], $0x80, s25, s16, $0xb8;
	[tilespmem:$0x1E400] =	vst v63  }
0x8e: {  	_ =	swait.ge [sflag:s14], $0x4000  }
0x8f: {  	s26 =	smov.u32 s30;
	s25 =	sshra.s32 s29, $0x2;
	[sflag:s14] =	ssyncset.done $0x0  }
0x90: {  	s26 =	sadd.s32 $0x80, s25;
	[sflag:s14] =	ssyncadd.s32 $0xFFFFC000  }
0x91: {  	[tilespmem:s18], [sflag:$0x2] =	stream.indirect.gather [hbm4b:s1+s16], $0x80, s26, s16, $0xb8;
	[tilespmem:$0x1E400] =	vst v63  }
0x92: {  	_ =	swait.ge [sflag:s19], $0x4000  }
0x93: {  	[sflag:s19] =	ssyncset.done $0x0  }
0x94: {  	s29 =	sadd.s32 $0x1400, s25;
	[sflag:s19] =	ssyncadd.s32 $0xFFFFC000  }
0x95: {  	[spmem:s2] =	stream.indirect.scatter.add.f32 [tilespmem:s17], [sflag:$0x3], $0x80, s29, s16, $0xb8;
	[tilespmem:$0x1E400] =	vst v63  }
0x96: {  	_ =	swait.ge [sflag:s14], $0x4000  }
0x97: {  	[sflag:s14] =	ssyncset.done $0x0  }
0x98: {  	s30 =	sadd.s32 $0x100, s25;
	[sflag:s14] =	ssyncadd.s32 $0xFFFFC000  }
0x99: {  	[tilespmem:s17], [sflag:$0x1] =	stream.indirect.gather [hbm4b:s1+s16], $0x80, s30, s16, $0xb8;
	[tilespmem:$0x1E400] =	vst v63  }
0x9a: {  	_ =	swait.ge [sflag:s20], $0x4000  }
0x9b: {  	[sflag:s20] =	ssyncset.done $0x0  }
0x9c: {  	s31 =	sadd.s32 $0x1480, s25;
	[sflag:s20] =	ssyncadd.s32 $0xFFFFC000  }
0x9d: {  	[spmem:s2] =	stream.indirect.scatter.add.f32 [tilespmem:s18], [sflag:$0x3], $0x80, s31, s16, $0xb8;
	[tilespmem:$0x1E400] =	vst v63  }
0x9e: {  	_ =	swait.ge [sflag:s14], $0x4000  }
0x9f: {  	[sflag:s14] =	ssyncset.done $0x0  }
0xa0: {  	[sflag:s14] =	ssyncadd.s32 $0xFFFFC000  }
0xa1: {  	[tilespmem:s18], [sflag:$0x2] =	stream.indirect.gather [hbm4b:s1+s16], $0x80, s21, s16, $0xb8;
	[tilespmem:$0x1E400] =	vst v63  }
0xa2: {  	_ =	swait.ge [sflag:s19], $0x4000  }
0xa3: {  	[sflag:s19] =	ssyncset.done $0x0  }
0xa4: {  	[sflag:s19] =	ssyncadd.s32 $0xFFFFC000  }
0xa5: {  	[spmem:s2] =	stream.indirect.scatter.add.f32 [tilespmem:s17], [sflag:$0x3], $0x80, s22, s16, $0xb8;
	[tilespmem:$0x1E400] =	vst v63  }
0xa6: {  	_ =	swait.ge [sflag:s14], $0x4000  }
0xa7: {  	[sflag:s14] =	ssyncset.done $0x0  }
0xa8: {  	[sflag:s14] =	ssyncadd.s32 $0xFFFFC000  }
0xa9: {  	[tilespmem:s17], [sflag:$0x1] =	stream.indirect.gather [hbm4b:s1+s16], $0x80, s4, s16, $0xb8;
	[tilespmem:$0x1E400] =	vst v63  }
0xaa: {  	_ =	swait.ge [sflag:s20], $0x4000  }
0xab: {  	[sflag:s20] =	ssyncset.done $0x0  }
0xac: {  	[sflag:s20] =	ssyncadd.s32 $0xFFFFC000  }
0xad: {  	[spmem:s2] =	stream.indirect.scatter.add.f32 [tilespmem:s18], [sflag:$0x3], $0x80, s23, s16, $0xb8;
	[tilespmem:$0x1E400] =	vst v63  }
0xae: {  	_ =	swait.ge [sflag:s14], $0x4000  }
0xaf: {  	[sflag:s14] =	ssyncset.done $0x0  }
0xb0: {  	[sflag:s14] =	ssyncadd.s32 $0xFFFFC000  }
0xb1: {  	_ =	swait.ge [sflag:s19], $0x4000  }
0xb2: {  	s24 =	sadd.s32 $0x1, s24;
	[sflag:s19] =	ssyncset.done $0x0  }
0xb3: {  	p0 =	sne.s32 s24, s12;
	[sflag:s19] =	ssyncadd.s32 $0xFFFFC000  }
.Ltmp2:
0xb4: {  	[bflag:$0x0] =	sbarrier.arrive $0xFFFF;
	(pc) =	sbr.rel @p0 .LBB2_1-.Ltmp2, $4  }
0xb5: {  	[hbm:s11], [sflag:s6] =	dma.local [spmem:s13], $0x2780  }
0xb6: {  	_ =	swait.ge [sflag:s14], $0x2780  }
0xb7: {  	[sflag:s14] =	ssyncset.done $0x0  }
0xb8: {  	[sflag:s14] =	ssyncadd.s32 $0xFFFFD880  }
0xb9: {  	_ =	sfence.sel $0x180000  }
0xba: {  	[bflag:$0x0] =	sbarrier.arrive $0xFFFF  }
0xbb: {  	p0 =	sne.s32 s3, $0x0;
	_ =	strace $0x9000004D  }
0xbc: {  	s0 =	sadd.s32 @!p0 $0x100000, s0;
	[bflag:$0x2] =	sbarrier.arrive $0xFFFF  }
0xbd: {  	[sflag:s0] =	ssyncadd.tile.s32 @!p0 $0x1;
	_ =	shalt  }
.Lfunc_end2:
_tile_overlayer_lowered:
.L_overlay_start_2:
0xbe: {  	(tag) =	ssettag $0x2  }
0xbf: {  	s0 =	rddreg [dreg:$0x0];
	s2 =	stileid.u32  }
0xc0: {  	s1 =	rddreg [dreg:$0x1];
	p0 =	sne.s32 s2, $0x0  }
0xc1: {  	s3 =	rddreg [dreg:$0x2];
	[bflag:$0x3] =	sbarrier.arrive $0xFFFF;
	s2 =	simm.s32 @!p0 $0x1C03  }
0xc2: {  	[timem:s3], [sflag:s2] =	dma.local @!p0 [hbm:s0], s1  }
0xc3: {  	s0 =	simm.s32 @!p0 $0x3  }
0xc4: {  	_ =	swait.ge @!p0 [sflag:s0], s1  }
0xc5: {  	s1 =	ssub.s32 @!p0 $0x0, s1;
	[sflag:s0] =	ssyncset.done @!p0 $0x0  }
0xc6: {  	[sflag:s0] =	ssyncadd.s32 @!p0 s1  }
0xc7: {  	[bflag:$0x3] =	sbarrier.arrive $0xFFFF  }
0xc8: {  	_ =	shalt  }

// kernel: kernel.9.cloned.1.call-start
scs
__scs_entry_jumppad:
0x0: {  	(pc) =	sbr.rel $0x88, $3  }
0x1: {  	(tag) =	ssettag $0x0;
	lr =	simm.s32 $0x1  }
0x2: {  	[smem:$0x3F97] =	sst lr;
	_ =	strace $0xD0000000  }
0x3: {  	_ = 	snop  }
0x4: {  	_ = 	snop  }
0x5: {  	_ = 	snop  }
0x6: {  	_ = 	snop  }
0x7: {  	_ = 	snop  }
__scs_overlays_trampoline_lowered:
0x8: {  	[smem:$0x3FA6] =	sst s0  }
0x9: {  	[smem:$0x3FA7] =	sst s1  }
0xa: {  	[smem:$0x3FA8] =	sst s2  }
0xb: {  	[smem:$0x3FA9] =	sst s3  }
0xc: {  	[smem:$0x3FAA] =	sst s4  }
0xd: {  	[smem:$0x3FAB] =	sst s5  }
0xe: {  	[smem:$0x3FAC] =	sst s6  }
0xf: {  	[smem:$0x3FAD] =	sst s7  }
0x10: {  	[smem:$0x3FAE] =	sst s8  }
0x11: {  	[smem:$0x3FAF] =	sst s9;
	s0 =	simm.s32 @!p0 $0x0  }
0x12: {  	s1 =	sld [smem:$0x3F95];
	s0 =	simm.s32 @p0 $0x1  }
0x13: {  	[smem:$0x3FB0] =	sst s0;
	s0 =	simm.s32 @!p1 $0x0  }
0x14: {  	s2 =	sld [smem:$0x3F94];
	s0 =	simm.s32 @p1 $0x1  }
0x15: {  	[smem:$0x3FB1] =	sst s0;
	s0 =	simm.s32 @!p2 $0x0  }
0x16: {  	s3 =	sld [smem:$0x3FDB];
	s0 =	simm.s32 @p2 $0x1  }
0x17: {  	s4 =	simm.s32 $0x1BF5;
	[smem:$0x3FB3] =	sst s0  }
0x18: {  	s0 =	sld [smem:$0x3F96];
	_ =	swait.ge [sflag:s4], $0x0  }
0x19: {  	s7 =	sld [smem:$0x3F97]  }
0x1a: {  	s8 =	sadd.s32 $0xFFFFE003, lr  }
0x1b: {  	s9 =	sadd.s32 $0xFFFFFEF7, lr;
	s5 =	simm.s32 $0xFFFFFFFF;
	p2 =	slt.u32 s8, $0xFFFFF086  }
0x1c: {  	p1 =	slt.u32 s9, $0xF7A;
	s5 =	simm.s32 @!p2 $0x0  }
0x1d: {  	s5 =	simm.s32 @p1 $0x1;
	p0 =	seq.s32 s7, s2  }
0x1e: {  	s7 =	smul.u32 @!p0 $0xF7A, s2;
	p2 =	seq.s32 @!p0 s5, $0x0  }
0x1f: {  	s9 =	smul.u32 $0xF7A, s1;
	s8 =	simm.s32 @!p0 $0x1BF5;
	p2 =	por !p2, p0  }
0x20: {  	[sflag:s8] =	ssyncset.s32 @!p0 $0xFFFFF086;
	s6 =	sadd.s32 @!p0 s3, s7;
	s7 =	simm.s32 @!p0 $0x108  }
0x21: {  	s3 =	sadd.s32 s3, s9;
	s6 =	sadd.s32 @!p0 $0x88, s6;
	s7 =	simm.s32 @p2 $0x1082  }
0x22: {  	[simem:s7], [sflag:s8] =	dma.local @!p0 [hbm:s6], $0xF7A  }
0x23: {  	s9 =	sor.u32 $0xD0000000, s2;
	s6 =	simm.s32 $0x108;
	_ =	swait.ge @!p0 [sflag:s8], $0x0  }
0x24: {  	s3 =	sadd.s32 $0x88, s3;
	s6 =	simm.s32 @!p1 $0x1082;
	[sflag:s4] =	ssyncset.s32 $0xFFFFF086  }
0x25: {  	[simem:s6], [sflag:s4] =	dma.local [hbm:s3], $0xF7A  }
0x26: {  	[smem:$0x3F97] =	sst s1;
	(tag) =	ssettag s2;
	_ =	strace s9  }
0x27: {  	s1 =	sld [smem:$0x3FA7]  }
0x28: {  	s2 =	sld [smem:$0x3FA8]  }
0x29: {  	s4 =	sld [smem:$0x3FAA]  }
0x2a: {  	p0 =	seq.s32 s5, $0x0;
	s5 =	sld [smem:$0x3FAB]  }
0x2b: {  	s6 =	sld [smem:$0x3FAC]  }
0x2c: {  	s7 =	sld [smem:$0x3FAD]  }
0x2d: {  	s3 =	simm.s32 $0x108;
	s8 =	sld [smem:$0x3FAE]  }
0x2e: {  	s3 =	simm.s32 @!p0 $0x1082;
	s9 =	sld [smem:$0x3FAF]  }
0x2f: {  	lr =	sadd.s32 s0, s3;
	s0 =	sld [smem:$0x3FA6]  }
0x30: {  	s3 =	sld [smem:$0x3FA9]  }
0x31: {  	[smem:$0x3FB2] =	sst s10  }
0x32: {  	s10 =	sld [smem:$0x3FB0];
	_ =	sdelay $0x3  }
0x33: {  	p0 =	seq.s32 s10, $0x1;
	s10 =	sld [smem:$0x3FB2];
	_ =	sdelay $0x3  }
0x34: {  	[smem:$0x3FB2] =	sst s10  }
0x35: {  	s10 =	sld [smem:$0x3FB1];
	_ =	sdelay $0x3  }
0x36: {  	p1 =	seq.s32 s10, $0x1;
	s10 =	sld [smem:$0x3FB2];
	_ =	sdelay $0x3  }
0x37: {  	[smem:$0x3FB2] =	sst s10  }
0x38: {  	s10 =	sld [smem:$0x3FB3]  }
0x39: {  	_ = 	snop;
	(pc) =	sbr.ind lr, $3  }
0x3a: {  	_ = 	snop  }
0x3b: {  	_ = 	snop  }
0x3c: {  	p2 =	seq.s32 s10, $0x1;
	s10 =	sld [smem:$0x3FB2]  }
0x3d: {  	_ =	shalt  }
0x3e: {  	_ =	shalt  }
0x3f: {  	_ =	shalt  }
0x40: {  	_ =	shalt  }
0x41: {  	_ =	shalt  }
0x42: {  	_ =	shalt  }
0x43: {  	_ =	shalt  }
0x44: {  	_ =	shalt  }
0x45: {  	_ =	shalt  }
0x46: {  	_ =	shalt  }
0x47: {  	_ =	shalt  }
0x48: {  	_ =	shalt  }
0x49: {  	_ =	shalt  }
0x4a: {  	_ =	shalt  }
0x4b: {  	_ =	shalt  }
0x4c: {  	_ =	shalt  }
0x4d: {  	_ =	shalt  }
0x4e: {  	_ =	shalt  }
0x4f: {  	_ =	shalt  }
0x50: {  	_ =	shalt  }
0x51: {  	_ =	shalt  }
0x52: {  	_ =	shalt  }
0x53: {  	_ =	shalt  }
0x54: {  	_ =	shalt  }
0x55: {  	_ =	shalt  }
0x56: {  	_ =	shalt  }
0x57: {  	_ =	shalt  }
0x58: {  	_ =	shalt  }
0x59: {  	_ =	shalt  }
0x5a: {  	_ =	shalt  }
0x5b: {  	_ =	shalt  }
0x5c: {  	_ =	shalt  }
0x5d: {  	_ =	shalt  }
0x5e: {  	_ =	shalt  }
0x5f: {  	_ =	shalt  }
0x60: {  	_ =	shalt  }
0x61: {  	_ =	shalt  }
0x62: {  	_ =	shalt  }
0x63: {  	_ =	shalt  }
0x64: {  	_ =	shalt  }
0x65: {  	_ =	shalt  }
0x66: {  	_ =	shalt  }
0x67: {  	_ =	shalt  }
0x68: {  	_ =	shalt  }
0x69: {  	_ =	shalt  }
0x6a: {  	_ =	shalt  }
0x6b: {  	_ =	shalt  }
0x6c: {  	_ =	shalt  }
0x6d: {  	_ =	shalt  }
0x6e: {  	_ =	shalt  }
0x6f: {  	_ =	shalt  }
0x70: {  	_ =	shalt  }
0x71: {  	_ =	shalt  }
0x72: {  	_ =	shalt  }
0x73: {  	_ =	shalt  }
0x74: {  	_ =	shalt  }
0x75: {  	_ =	shalt  }
0x76: {  	_ =	shalt  }
0x77: {  	_ =	shalt  }
0x78: {  	_ =	shalt  }
0x79: {  	_ =	shalt  }
0x7a: {  	_ =	shalt  }
0x7b: {  	_ =	shalt  }
0x7c: {  	_ =	shalt  }
0x7d: {  	_ =	shalt  }
0x7e: {  	_ =	shalt  }
0x7f: {  	_ =	shalt  }
0x80: {  	_ =	shalt  }
0x81: {  	_ =	shalt  }
0x82: {  	_ =	shalt  }
0x83: {  	_ =	shalt  }
0x84: {  	_ =	shalt  }
0x85: {  	_ =	shalt  }
0x86: {  	_ =	shalt  }
0x87: {  	_ =	shalt  }
.Lfunc_end0:
.L_simem_size_0:
called_computation_lowered:
.L_overlay_start_0:
0x88: {  	s2 =	sld [smem:$0x3FD9]  }
0x89: {  	s3 =	sld [smem:$0x3FFE];
	_ =	sdelay $0x1  }
0x8a: {  	s1 =	srdreg.scid  }
0x8b: {  	s0 =	sand.u32 $0x1, s1  }
0x8c: {  	s17 =	sshll.u32 s0, $0xA;
	s2 =	sadd.s32 s3, s2  }
0x8d: {  	s2 =	sadd.s32 s2, s17  }
0x8e: {  	[smem:$0x3FBE] =	sst s2  }
0x8f: {  	_ = 	snop  }
0x90: {  	s2 =	sld [smem:$0x3FD0];
	(tm) =	ssettm $0x1  }
0x91: {  	s18 =	sld [smem:$0x3FFB];
	_ =	sdelay $0x3  }
0x92: {  	_ =	strace s18  }
0x93: {  	s3 =	sld [smem:$0x3FFC];
	_ =	sdelay $0x3  }
0x94: {  	_ =	strace s3  }
0x95: {  	s3 =	sld [smem:$0x3FFD];
	_ =	sdelay $0x3  }
0x96: {  	_ =	strace s3  }
0x97: {  	_ =	strace $0x8FFFFFFF  }
0x98: {  	s19 =	sld [smem:$0x3FDB];
	_ =	sdelay $0x1  }
0x99: {  	s4 =	simm.s32 $_scs_section_size  }
0x9a: {  	s5 =	simm.s32 $_size__tile_overlayer_lowered;
	s6 =	simm.s32 $_tile_overlayer_lowered  }
0x9b: {  	s22 =	simm.s32 $0x1BFF;
	s21 =	sshll.u32 s6, $0x1;
	s3 =	sadd.s32 s4, s19  }
0x9c: {  	s7 =	simm.s32 $0x0;
	s20 =	sshll.u32 s5, $0x1;
	s5 =	sadd.s32 s21, s3  }
0x9d: {  	[timem:s7], [sflag:s22] =	dma.local [hbm:s5], s20  }
0x9e: {  	_ =	swait.ge [sflag:s22], s20  }
0x9f: {  	s4 =	ssub.s32 $0x0, s20;
	[sflag:s22] =	ssyncset.done $0x0  }
0xa0: {  	[sflag:s22] =	ssyncadd.s32 s4;
	_ =	sdelay $0x1  }
0xa1: {  	s23 =	simm.s32 $0x1B8B  }
0xa2: {  	_ =	swait.ge [sflag:s23], $0x1  }
0xa3: {  	[sflag:s23] =	ssyncset.done $0x0  }
0xa4: {  	s25 =	simm.s32 $0x1B8E;
	s24 =	sld [smem:$0x3FFE];
	[sflag:s23] =	ssyncadd.s32 $0xFFFFFFFF  }
0xa5: {  	s26 =	simm.s32 $execute0_lowered;
	[smem:$0x3FD2] =	sst s25  }
0xa6: {  	s5 =	sshll.u32 s26, $0x1;
	_ =	strace $0x80000046;
	[dreg:$0x1] =	wrdreg $0xFFFFFFFF  }
0xa7: {  	s28 =	simm.s32 $_size_execute0_lowered;
	s3 =	sadd.s32 s3, s5;
	[dreg:$0x0] =	wrdreg $0x0  }
0xa8: {  	s5 =	sshll.u32 s28, $0x1;
	[dreg:$0x2] =	wrdreg s3  }
0xa9: {  	[dreg:$0x3] =	wrdreg s5  }
0xaa: {  	[dreg:$0x4] =	wrdreg $0xC0  }
0xab: {  	_ =	task [dreg:s7], $0x5FFFF  }
0xac: {  	[dreg:$0x1] =	wrdreg $0xFFFFFFFF  }
0xad: {  	[dreg:$0x0] =	wrdreg $0x60  }
0xae: {  	[dreg:$0x2] =	wrdreg s2  }
0xaf: {  	[dreg:$0x3] =	wrdreg s24  }
0xb0: {  	[dreg:$0x4] =	wrdreg $0x9  }
0xb1: {  	_ =	task.clear_ibuf [dreg:s7], $0x5FFFF;
	_ =	strace $0x90000046  }
0xb2: {  	s29 =	simm.s32 $0x9;
	_ =	strace $0x80000048  }
0xb3: {  	_ =	swait.ge [sflag:s29], $0x1  }
0xb4: {  	[sflag:s29] =	ssyncadd.s32 $0xFFFFFFFF  }
0xb5: {  	_ =	strace $0x90000048  }
0xb6: {  	_ =	sfence  }
0xb7: {  	s30 =	sld [smem:$0x0];
	_ =	sdelay $0x2  }
0xb8: {  	s31 =	sshll.u32 s1, $0xD;
	s1 =	sshrl.u32 s1, $0x2  }
0xb9: {  	s3 =	sand.u32 $0x4000, s31;
	s1 =	sadd.s32 s1, s30  }
0xba: {  	s0 =	sor.u32 s3, s0;
	s1 =	sshll.u32 s1, $0x11  }
0xbb: {  	s0 =	sor.u32 s1, s0  }
0xbc: {  	s0 =	sadd.s32 $0x8F2B, s0  }
0xbd: {  	[sflag:s0] =	ssyncadd.remote.s32 $0x1  }
0xbe: {  	_ =	sfence.sel $0xFFFF  }
0xbf: {  	[dreg:$0x0] =	wrdreg $0xFFFFFFFF;
	(pc) =	sbr.abs _section_cstart, $3  }
0xc0: {  	[dreg:$0x1] =	wrdreg $0xFFFFFFFF  }
0xc1: {  	_ =	task.clear_ibuf [dreg:s7], $0x2FFFF;
	_ =	strace $0x9FFFFFFF  }
0xc2: {  	(tm) =	ssettm $0x7FFFFFFF  }
0xc3: {  	_ =	shalt  }
tec
execute0_lowered:
.L_overlay_start_1:
0x0: {  	(tag) =	ssettag $0x1  }
0x1: {  	s4 =	rddreg [dreg:$0x0]  }
0x2: {  	s5 =	rddreg [dreg:$0x1]  }
0x3: {  	s2 =	srdreg.scid;
	s1 =	stileid.u32  }
0x4: {  	s0 =	rddreg [dreg:$0x2];
	s10 =	simm.s32 $0x2800;
	s11 =	simm.s32 $0x0  }
0x5: {  	s6 =	sand.u32 $0x1, s2;
	s3 =	sshll.u32 s1, $0x1;
	s2 =	simm.s32 $0x0  }
0x6: {  	s7 =	sshrl.u32 s1, $0x2;
	s3 =	sor.u32 s6, s3;
	[smem:$0x7FF] =	sst s2  }
0x7: {  	s7 =	smul.u32 $0x14000, s7;
	s6 =	ssub.s32 $0x2, s6;
	s8 =	sshll.u32 s3, $0x7  }
0x8: {  	_ =	strace $0x80000047;
	s9 =	smul.u32 $0x2780, s3;
	s31 =	sshrl.u32 s6, $0x1  }
0x9: {  	s3 =	sadd.s32 $0x17200, s5;
	s8 =	sand.u32 $0x380, s8;
	s6 =	ssub.s32 s6, s31  }
0xa: {  	s7 =	sor.u32 s7, s8;
	s5 =	sadd.s32 s9, s5;
	s6 =	smax.u32 s6, $0x1  }
0xb: {  	v0 =	vlaneseq.u32;
	s8 =	simm.s32 $0x400;
	s9 =	simm.s32 $0x1;
	s7 =	sshrl.u32 s7, $0x3  }
0xc: {  	v1 =	vimm.f32 $1.000000000e+00;
	v0 =	vand.u32 $0x7, v0;
	s5 =	sadd.s32 $0x19A00, s5;
	s4 =	sadd.s32 s4, s7;
	s7 =	simm.s32 $0x80  }
.LBB2_1:
0xd: {  	[tilespmem:s2], [sflag:$0x1] =	stream.strided.gather [hbm4b:s4+s7], $0x2800, s8, s7, $0x38;
	[tilespmem:$0x16400] =	vst v63  }
0xe: {  	_ =	swait.ge [sflag:s9], $0x2800  }
0xf: {  	[sflag:s9] =	ssyncset.done $0x0  }
0x10: {  	[sflag:s9] =	ssyncadd.s32 $0xFFFFD800  }
0x11: {  	[tilespmem:s10], [sflag:$0x1] =	stream.linear.gather [hbm4b:s3+s2], $0x13C00, $0x38;
	[tilespmem:$0x16400] =	vst v63  }
0x12: {  	_ =	swait.ge [sflag:s9], $0x13C00  }
0x13: {  	[sflag:s9] =	ssyncset.done $0x0  }
0x14: {  	s13 =	simm.s32 $0x0;
	s12 =	simm.s32 $0x40;
	[sflag:s9] =	ssyncadd.s32 $0xFFFEC400  }
.LBB2_2:
0x15: {  	p0 =	sne.s32 s12, $0x9FC0;
	v2 =	vld [tilespmem:s13+$0x0];
	_ =	sdelay $0x4  }
0x16: {  	v2 =	vshll.u32 v2, $0x3  }
0x17: {  	v2 =	vor.u32 v0, v2  }
.Ltmp0:
0x18: {  	(pc) =	sbr.rel @p0 .LBB2_2-.Ltmp0, $2  }
0x19: {  	_ =	sdelay $0x2  }
0x1a: {  	s13 =	sshra.s32 s12, $0x2;
	s12 =	sadd.s32 $0x40, s12;
	[tilespmem:v2+s10+$0x0] =	vst.idx.add.f32.msk $0xffff, v1  }
0x1b: {  	v2 =	vld [tilespmem:s13+$0x0];
	_ =	sdelay $0x4  }
0x1c: {  	v2 =	vshll.u32 v2, $0x3  }
0x1d: {  	v2 =	vor.u32 v0, v2;
	_ =	sdelay $0x2  }
0x1e: {  	s11 =	sadd.s32 $0x1, s11  }
0x1f: {  	p0 =	sne.s32 s11, s6  }
.Ltmp1:
0x20: {  	[tilespmem:v2+s10+$0x0] =	vst.idx.add.f32.msk $0xffff, v1;
	(pc) =	sbr.rel @p0 .LBB2_1-.Ltmp1, $4  }
0x21: {  	[hbm4b:s5+s2] =	stream.linear.scatter [tilespmem:s10], [sflag:$0x1], $0x13C00, $0x38;
	[tilespmem:$0x16400] =	vst v63  }
0x22: {  	_ =	swait.ge [sflag:s9], $0x13C00  }
0x23: {  	[sflag:s9] =	ssyncset.done $0x0  }
0x24: {  	[sflag:s9] =	ssyncadd.s32 $0xFFFEC400  }
0x25: {  	_ =	sfence.sel $0x180000  }
0x26: {  	[bflag:$0x0] =	sbarrier.arrive $0xFFFF  }
0x27: {  	p0 =	sne.s32 s1, $0x0;
	_ =	strace $0x90000047  }
0x28: {  	s0 =	sadd.s32 @!p0 $0x100000, s0;
	[bflag:$0x2] =	sbarrier.arrive $0xFFFF  }
0x29: {  	[sflag:s0] =	ssyncadd.tile.s32 @!p0 $0x1;
	_ =	shalt  }
.Lfunc_end2:
_tile_overlayer_lowered:
.L_overlay_start_2:
0x2a: {  	(tag) =	ssettag $0x2  }
0x2b: {  	s0 =	rddreg [dreg:$0x0];
	s2 =	stileid.u32  }
0x2c: {  	s1 =	rddreg [dreg:$0x1];
	p0 =	sne.s32 s2, $0x0  }
0x2d: {  	s3 =	rddreg [dreg:$0x2];
	[bflag:$0x3] =	sbarrier.arrive $0xFFFF;
	s2 =	simm.s32 @!p0 $0x1C01  }
0x2e: {  	[timem:s3], [sflag:s2] =	dma.local @!p0 [hbm:s0], s1  }
0x2f: {  	s0 =	simm.s32 @!p0 $0x1  }
0x30: {  	_ =	swait.ge @!p0 [sflag:s0], s1  }
0x31: {  	s1 =	ssub.s32 @!p0 $0x0, s1;
	[sflag:s0] =	ssyncset.done @!p0 $0x0  }
0x32: {  	[sflag:s0] =	ssyncadd.s32 @!p0 s1  }
0x33: {  	[bflag:$0x3] =	sbarrier.arrive $0xFFFF  }
0x34: {  	_ =	shalt  }

</sc_bundles>
